<compile_context>
chip_gen: v7x
topology: tpu7x:2x2x1
jax: 0.10.2.dev20260603
libtpu: 0.0.44.dev20260713+nightly
codegen_flags: <defaults>
</compile_context>

<pallas_src>
import functools

import jax
import jax.numpy as jnp
from jax import lax
from jax.experimental import pallas as pl
from jax.experimental.pallas import tpu as pltpu
from jax.experimental.pallas import tpu_sc as plsc

N, E, C, DE = 10000, 320000, 128, 4
AW = 16
NC, NS = 2, 16
NW = NC * NS
K = 128
NCHUNK = E // K
FULL = NCHUNK // NW
NP = 10240
RPT = NP // NS
BF = jnp.bfloat16


def _gather_body(x_hbm, src_hbm, dst_hbm, zd_out, zs_out,
                 src_v, dst_v, rows_v, rows2_v, sem):
    cid = lax.axis_index("c")
    sid = lax.axis_index("s")
    wid = sid * NC + cid

    @pl.loop(0, FULL + 1)
    def _chunk(i):
        c = wid + NW * i

        @pl.when(c < NCHUNK)
        def _():
            base = c * K
            pltpu.sync_copy(dst_hbm.at[pl.ds(base, K)], dst_v)
            pltpu.sync_copy(src_hbm.at[pl.ds(base, K)], src_v)
            d1 = pltpu.async_copy(x_hbm.at[dst_v], rows_v, sem)
            d2 = pltpu.async_copy(x_hbm.at[src_v], rows2_v, sem)
            d1.wait()
            pltpu.sync_copy(rows_v, zd_out.at[pl.ds(base, K)])
            d2.wait()
            pltpu.sync_copy(rows2_v, zs_out.at[pl.ds(base, K)])


def _scatter_body(msg_hbm, dst_hbm, s_out, dst_v, rows_v, s_sh, sem):
    cid = lax.axis_index("c")
    sid = lax.axis_index("s")
    wid = sid * NC + cid
    z16 = jnp.zeros((16,), jnp.float32)

    @pl.loop(0, K)
    def _zero(r):
        for j in range(C // 16):
            rows_v[r, pl.ds(j * 16, 16)] = z16

    for k in range(RPT // K):
        pltpu.sync_copy(rows_v, s_sh.at[pl.ds(sid * RPT + k * K, K)])
    plsc.subcore_barrier()

    @pl.loop(0, FULL + 1)
    def _chunk(i):
        c = wid + NW * i

        @pl.when(c < NCHUNK)
        def _():
            base = c * K
            pltpu.sync_copy(dst_hbm.at[pl.ds(base, K)], dst_v)
            pltpu.sync_copy(msg_hbm.at[pl.ds(base, K)], rows_v)
            pltpu.sync_copy(rows_v, s_sh.at[dst_v], add=True)

    plsc.subcore_barrier()
    pltpu.sync_copy(s_sh.at[pl.ds(sid * RPT, RPT)],
                    s_out.at[pl.ds(cid * NP + sid * RPT, RPT)])


def _count_body(dst_hbm, ea_hbm, a_out, dst_v, ea_v, rows_v, a_sh, sem):
    cid = lax.axis_index("c")
    sid = lax.axis_index("s")
    wid = sid * NC + cid
    z16 = jnp.zeros((16,), jnp.float32)

    @pl.loop(0, K)
    def _zero(r):
        for j in range(C // 16):
            rows_v[r, pl.ds(j * 16, 16)] = z16

    for k in range(RPT // K):
        pltpu.sync_copy(rows_v, a_sh.at[pl.ds(sid * RPT + k * K, K)])
    plsc.subcore_barrier()

    @pl.loop(0, FULL + 1)
    def _chunk(i):
        c = wid + NW * i

        @pl.when(c < NCHUNK)
        def _():
            base = c * K
            pltpu.sync_copy(dst_hbm.at[pl.ds(base, K)], dst_v)
            pltpu.sync_copy(ea_hbm.at[pl.ds(base, K)], ea_v)

            @pl.loop(0, K)
            def _widen(r):
                rows_v[r, pl.ds(0, AW)] = ea_v[r, :]

            pltpu.sync_copy(rows_v, a_sh.at[dst_v], add=True)

    plsc.subcore_barrier()
    pltpu.sync_copy(a_sh.at[pl.ds(sid * RPT, RPT)],
                    a_out.at[pl.ds(cid * NP + sid * RPT, RPT)])


@functools.cache
def _sc_kernels():
    mesh = plsc.VectorSubcoreMesh(core_axis_name="c", subcore_axis_name="s",
                                  num_cores=NC, num_subcores=NS)
    gather_kernel = pl.kernel(
        _gather_body,
        out_type=(
            jax.ShapeDtypeStruct((E, C), jnp.float32),
            jax.ShapeDtypeStruct((E, C), jnp.float32),
        ),
        mesh=mesh,
        scratch_types=(
            pltpu.VMEM((K,), jnp.int32),
            pltpu.VMEM((K,), jnp.int32),
            pltpu.VMEM((K, C), jnp.float32),
            pltpu.VMEM((K, C), jnp.float32),
            pltpu.SemaphoreType.DMA,
        ),
    )
    scatter_kernel = pl.kernel(
        _scatter_body,
        out_type=jax.ShapeDtypeStruct((NC * NP, C), jnp.float32),
        mesh=mesh,
        scratch_types=(
            pltpu.VMEM((K,), jnp.int32),
            pltpu.VMEM((K, C), jnp.float32),
            pltpu.VMEM_SHARED((NP, C), jnp.float32),
            pltpu.SemaphoreType.DMA,
        ),
    )
    count_kernel = pl.kernel(
        _count_body,
        out_type=jax.ShapeDtypeStruct((NC * NP, C), jnp.float32),
        mesh=mesh,
        scratch_types=(
            pltpu.VMEM((K,), jnp.int32),
            pltpu.VMEM((K, AW), jnp.float32),
            pltpu.VMEM((K, C), jnp.float32),
            pltpu.VMEM_SHARED((NP, C), jnp.float32),
            pltpu.SemaphoreType.DMA,
        ),
    )
    return gather_kernel, scatter_kernel, count_kernel


def _msg_body(zd_ref, zs_ref, ea_ref, wg256_ref, wg8_ref, bg_ref, msg_ref):
    zpair = jnp.concatenate(
        [zd_ref[...].astype(BF), zs_ref[...].astype(BF)], axis=1)
    m256 = jnp.dot(zpair, wg256_ref[...], preferred_element_type=jnp.float32)
    m8 = jnp.dot(ea_ref[...].astype(BF), wg8_ref[...],
                 preferred_element_type=jnp.float32)
    msg_ref[...] = (m256 + m8) + bg_ref[...]


def _msg_kernel(zd, zs, ea8, wg256, wg8, bg2):
    B = 2000
    return pl.pallas_call(
        _msg_body,
        grid=(E // B,),
        in_specs=[
            pl.BlockSpec((B, C), lambda i: (i, 0)),
            pl.BlockSpec((B, C), lambda i: (i, 0)),
            pl.BlockSpec((B, 8), lambda i: (i, 0)),
            pl.BlockSpec((2 * C, C), lambda i: (0, 0)),
            pl.BlockSpec((8, C), lambda i: (0, 0)),
            pl.BlockSpec((1, C), lambda i: (0, 0)),
        ],
        out_specs=pl.BlockSpec((B, C), lambda i: (i, 0)),
        out_shape=jax.ShapeDtypeStruct((E, C), jnp.float32),
    )(zd, zs, ea8, wg256, wg8, bg2)


def _final_body(x_ref, sp_ref, ap_ref, wf_ref, wc_ref, bf_ref, bc_ref,
                y_ref, probs_ref):
    summed = sp_ref[0] + sp_ref[1]
    cnt = ap_ref[0][:, DE:DE + 1] + ap_ref[1][:, DE:DE + 1]
    aggr = summed / jnp.clip(cnt, 1.0, None)
    hin = jnp.concatenate(
        [x_ref[...].astype(BF), aggr.astype(BF)], axis=1)
    h = jnp.dot(hin, wf_ref[...], preferred_element_type=jnp.float32) \
        + bf_ref[...]
    logit = jnp.dot(h.astype(BF), wc_ref[...],
                    preferred_element_type=jnp.float32) + bc_ref[...]
    probs = jax.nn.sigmoid(logit)
    probs_ref[...] = probs
    y_ref[...] = probs > 0.5


def _final_kernel(x_a, sp, ap, wfb, wcb, bf2, bc2):
    B = 2000
    return pl.pallas_call(
        _final_body,
        grid=(N // B,),
        in_specs=[
            pl.BlockSpec((B, C), lambda i: (i, 0)),
            pl.BlockSpec((NC, B, C), lambda i: (0, i, 0)),
            pl.BlockSpec((NC, B, C), lambda i: (0, i, 0)),
            pl.BlockSpec((2 * C, C), lambda i: (0, 0)),
            pl.BlockSpec((C, 1), lambda i: (0, 0)),
            pl.BlockSpec((1, C), lambda i: (0, 0)),
            pl.BlockSpec((1, 1), lambda i: (0, 0)),
        ],
        out_specs=[
            pl.BlockSpec((B, 1), lambda i: (i, 0)),
            pl.BlockSpec((B, 1), lambda i: (i, 0)),
        ],
        out_shape=[
            jax.ShapeDtypeStruct((N, 1), jnp.bool_),
            jax.ShapeDtypeStruct((N, 1), jnp.float32),
        ],
    )(x_a, sp, ap, wfb, wcb, bf2, bc2)


def kernel(x_a, edge_index_a2a, edge_attr_a2a, W_g, b_g, W_f, b_f, W_c, b_c):
    src = edge_index_a2a[0]
    dst = edge_index_a2a[1]
    ea8 = jnp.concatenate(
        [edge_attr_a2a, jnp.zeros((E, 8 - DE), jnp.float32)], axis=1)
    ea16 = jnp.concatenate(
        [edge_attr_a2a,
         jnp.ones((E, 1), jnp.float32),
         jnp.zeros((E, AW - DE - 1), jnp.float32)], axis=1)

    gather_kernel, scatter_kernel, count_kernel = _sc_kernels()
    zd, zs = gather_kernel(x_a, src, dst)

    wg256 = W_g[:2 * C].astype(BF)
    wg8 = jnp.concatenate(
        [W_g[2 * C:], jnp.zeros((8 - DE, C), jnp.float32)], axis=0).astype(BF)
    msg = _msg_kernel(zd, zs, ea8, wg256, wg8, b_g[None, :])

    s_flat = scatter_kernel(msg, dst)
    a_flat = count_kernel(dst, ea16)
    sp = s_flat.reshape(NC, NP, C)
    ap = a_flat.reshape(NC, NP, C)

    y, probs = _final_kernel(x_a, sp, ap, W_f.astype(BF), W_c.astype(BF),
                             b_f[None, :], b_c[None, :])
    return (y, probs)

# --- scband reference (transcript-rebuilt; emitter-appended) ---
"""Pipeline reference for scband-cuts-selector-16037407883356 (READ-ONLY COPY).

The authoritative reference and input builder live on the scoring server;
editing this copy changes nothing except your own understanding.
"""

import jax, jax.numpy as jnp
import numpy as np

N, E, C, DE = 10000, 320000, 128, 4

def setup_inputs(seed: int = 0) -> dict:
    key = jax.random.key(seed)
    ks = jax.random.split(key, 9)
    x_a = jax.random.normal(ks[0], (N, C), dtype=jnp.float32)
    edge_index_a2a = jax.random.randint(ks[1], (2, E), 0, N, dtype=jnp.int32)
    edge_attr_a2a = jax.random.uniform(ks[2], (E, DE), dtype=jnp.float32)
    # CutConv params: g = Linear(2C+DE, C), f = Linear(2C, C); classifier = Linear(C, 1)
    def lin_init(k, fan_in, fan_out):
        k1, k2 = jax.random.split(k)
        bound = 1.0 / np.sqrt(fan_in)
        W = jax.random.uniform(k1, (fan_in, fan_out), minval=-bound, maxval=bound, dtype=jnp.float32)
        b = jax.random.uniform(k2, (fan_out,), minval=-bound, maxval=bound, dtype=jnp.float32)
        return W, b
    W_g, b_g = lin_init(ks[3], 2 * C + DE, C)
    W_f, b_f = lin_init(ks[4], 2 * C, C)
    W_c, b_c = lin_init(ks[5], C, 1)
    return {"x_a": x_a, "edge_index_a2a": edge_index_a2a, "edge_attr_a2a": edge_attr_a2a,
            "W_g": W_g, "b_g": b_g, "W_f": W_f, "b_f": b_f, "W_c": W_c, "b_c": b_c}

def reference(x_a, edge_index_a2a, edge_attr_a2a, W_g, b_g, W_f, b_f, W_c, b_c):
    src = edge_index_a2a[0]
    dst = edge_index_a2a[1]
    # message: g([x_i, x_j, e_ij]) where i = target (dst), j = source (src)
    x_i = jnp.take(x_a, dst, axis=0)
    x_j = jnp.take(x_a, src, axis=0)
    z_ij = jnp.concatenate([x_i, x_j, edge_attr_a2a], axis=-1)
    msg = z_ij @ W_g + b_g
    # mean aggregation at target nodes
    summed = jax.ops.segment_sum(msg, dst, num_segments=N)
    counts = jax.ops.segment_sum(jnp.ones((msg.shape[0],), dtype=msg.dtype), dst, num_segments=N)
    aggr = summed / jnp.clip(counts, 1.0, None)[:, None]
    # update: f([x, aggr])
    h = jnp.concatenate([x_a, aggr], axis=-1) @ W_f + b_f
    # classifier + sigmoid
    probs = jax.nn.sigmoid(h @ W_c + b_c)
    y = probs > 0.5
    return (y, probs)

if __name__ == "__main__":
    import jax
    _d = setup_inputs()
    print(jax.jit(kernel)(*tuple(_d.values())))

</pallas_src>

<mosaic_0001>
#map = affine_map<(d0, d1) -> (0, 0)>
#map1 = affine_map<(d0, d1) -> (0)>
module attributes {stable_mosaic.version = 14 : i64} {
  func.func @_gather_body(%arg0: i32, %arg1: i32, %arg2: memref<10000x128xf32, #tpu.memory_space<hbm>>, %arg3: memref<320000xi32, #tpu.memory_space<hbm>>, %arg4: memref<320000xi32, #tpu.memory_space<hbm>>, %arg5: memref<320000x128xf32, #tpu.memory_space<hbm>>, %arg6: memref<320000x128xf32, #tpu.memory_space<hbm>>, %arg7: memref<128xi32, #tpu.memory_space<vmem>>, %arg8: memref<128xi32, #tpu.memory_space<vmem>>, %arg9: memref<128x128xf32, #tpu.memory_space<vmem>>, %arg10: memref<128x128xf32, #tpu.memory_space<vmem>>, %arg11: memref<!tpu.dma_semaphore, #tpu.memory_space<semaphore_mem>>) attributes {dimension_semantics = [#tpu.dimension_semantics<core_parallel>, #tpu.dimension_semantics<subcore_parallel>], iteration_bounds = array<i64: 2, 16>, scalar_prefetch = 0 : i64, scratch_operands = 5 : i64, tpu.core_type = #tpu.core_type<sc_vector_subcore>, window_params = [{transform_indices = #map}, {transform_indices = #map1}, {transform_indices = #map1}, {transform_indices = #map}, {transform_indices = #map}]} {
    %mul3A = arith.constant 2 : i32
    %mul3A_0 = arith.muli %arg1, %mul3A : i32
    %add3A = arith.addi %mul3A_0, %arg0 : i32
    %scan3A = arith.constant 0 : i32
    %scan3A_1 = arith.constant 79 : i32
    %scan3A_2 = arith.addi %scan3A, %scan3A_1 : i32
    %scan3A_3 = arith.constant 1 : i32
    scf.for %scan3A_5 = %scan3A to %scan3A_2 step %scan3A_3  : i32 {
      %mul3A_6 = arith.constant 1 : i32
      %mul3A_7 = arith.muli %scan3A_5, %mul3A_6 : i32
      %add3A_8 = arith.constant 0 : i32
      %add3A_9 = arith.addi %add3A_8, %mul3A_7 : i32
      %mul3A_10 = arith.constant 32 : i32
      %mul3A_11 = arith.muli %mul3A_10, %add3A_9 : i32
      %add3A_12 = arith.addi %add3A, %mul3A_11 : i32
      %lt3A = arith.constant 2500 : i32
      %lt3A_13 = arith.cmpi slt, %add3A_12, %lt3A : i32
      %convert_element_type3A = arith.extui %lt3A_13 : i1 to i32
      %cond3A = arith.constant 0 : i32
      %cond3A_14 = arith.cmpi ne, %convert_element_type3A, %cond3A : i32
      scf.if %cond3A_14 {
        %mul3A_15 = arith.constant 128 : i32
        %mul3A_16 = arith.muli %add3A_12, %mul3A_15 : i32
        "tpu.region"() ({
          %run_scoped3A = tpu.sem_alloc : memref<!tpu.dma_semaphore, #tpu.memory_space<semaphore_mem>>
          %dma_start3A_27 = tpu.memref_slice %arg4[%mul3A_16] : memref<320000xi32, #tpu.memory_space<hbm>> -> memref<128xi32, #tpu.memory_space<hbm>>
          %dma_start3A_28 = tpu.memref_slice %arg4[%mul3A_16] : memref<320000xi32, #tpu.memory_space<hbm>> -> memref<128xi32, #tpu.memory_space<hbm>>
          tpu.enqueue_dma source(%dma_start3A_28 : memref<128xi32, #tpu.memory_space<hbm>>) target(%arg8 : memref<128xi32, #tpu.memory_space<vmem>>) target_semaphore(%run_scoped3A : memref<!tpu.dma_semaphore, #tpu.memory_space<semaphore_mem>>)
          %dma_wait3A_29 = tpu.memref_slice %arg4[%mul3A_16] : memref<320000xi32, #tpu.memory_space<hbm>> -> memref<128xi32, #tpu.memory_space<hbm>>
          %dma_wait3A_30 = tpu.memref_slice %arg4[%mul3A_16] : memref<320000xi32, #tpu.memory_space<hbm>> -> memref<128xi32, #tpu.memory_space<hbm>>
          tpu.wait_dma2 semaphore(%run_scoped3A : memref<!tpu.dma_semaphore, #tpu.memory_space<semaphore_mem>>) src(%dma_wait3A_30 : memref<128xi32, #tpu.memory_space<hbm>>) dst(%arg8 : memref<128xi32, #tpu.memory_space<vmem>>)
          tpu.yield
        }) : () -> ()
        "tpu.region"() ({
          %run_scoped3A = tpu.sem_alloc : memref<!tpu.dma_semaphore, #tpu.memory_space<semaphore_mem>>
          %dma_start3A_27 = tpu.memref_slice %arg3[%mul3A_16] : memref<320000xi32, #tpu.memory_space<hbm>> -> memref<128xi32, #tpu.memory_space<hbm>>
          %dma_start3A_28 = tpu.memref_slice %arg3[%mul3A_16] : memref<320000xi32, #tpu.memory_space<hbm>> -> memref<128xi32, #tpu.memory_space<hbm>>
          tpu.enqueue_dma source(%dma_start3A_28 : memref<128xi32, #tpu.memory_space<hbm>>) target(%arg7 : memref<128xi32, #tpu.memory_space<vmem>>) target_semaphore(%run_scoped3A : memref<!tpu.dma_semaphore, #tpu.memory_space<semaphore_mem>>)
          %dma_wait3A_29 = tpu.memref_slice %arg3[%mul3A_16] : memref<320000xi32, #tpu.memory_space<hbm>> -> memref<128xi32, #tpu.memory_space<hbm>>
          %dma_wait3A_30 = tpu.memref_slice %arg3[%mul3A_16] : memref<320000xi32, #tpu.memory_space<hbm>> -> memref<128xi32, #tpu.memory_space<hbm>>
          tpu.wait_dma2 semaphore(%run_scoped3A : memref<!tpu.dma_semaphore, #tpu.memory_space<semaphore_mem>>) src(%dma_wait3A_30 : memref<128xi32, #tpu.memory_space<hbm>>) dst(%arg7 : memref<128xi32, #tpu.memory_space<vmem>>)
          tpu.yield
        }) : () -> ()
        %dma_start3A = arith.constant 0 : i32
        %dma_start3A_17 = arith.constant 0 : i32
        %dma_start3A_18 = tpu.memref_slice %arg2[%dma_start3A, %dma_start3A_17] : memref<10000x128xf32, #tpu.memory_space<hbm>> -> memref<10000x128xf32, #tpu.memory_space<hbm>>
        tpu.enqueue_indirect_dma source(%dma_start3A_18 : memref<10000x128xf32, #tpu.memory_space<hbm>>) target(%arg9 : memref<128x128xf32, #tpu.memory_space<vmem>>) offsets(%arg8 : memref<128xi32, #tpu.memory_space<vmem>>) semaphore(%arg11 : memref<!tpu.dma_semaphore, #tpu.memory_space<semaphore_mem>>)
        %dma_start3A_19 = arith.constant 0 : i32
        %dma_start3A_20 = arith.constant 0 : i32
        %dma_start3A_21 = tpu.memref_slice %arg2[%dma_start3A_19, %dma_start3A_20] : memref<10000x128xf32, #tpu.memory_space<hbm>> -> memref<10000x128xf32, #tpu.memory_space<hbm>>
        tpu.enqueue_indirect_dma source(%dma_start3A_21 : memref<10000x128xf32, #tpu.memory_space<hbm>>) target(%arg10 : memref<128x128xf32, #tpu.memory_space<vmem>>) offsets(%arg7 : memref<128xi32, #tpu.memory_space<vmem>>) semaphore(%arg11 : memref<!tpu.dma_semaphore, #tpu.memory_space<semaphore_mem>>)
        %dma_wait3A = arith.constant 0 : i32
        %dma_wait3A_22 = arith.constant 0 : i32
        %dma_wait3A_23 = tpu.memref_slice %arg2[%dma_wait3A, %dma_wait3A_22] : memref<10000x128xf32, #tpu.memory_space<hbm>> -> memref<10000x128xf32, #tpu.memory_space<hbm>>
        tpu.wait_indirect_dma semaphore(%arg11 : memref<!tpu.dma_semaphore, #tpu.memory_space<semaphore_mem>>) src(%dma_wait3A_23 : memref<10000x128xf32, #tpu.memory_space<hbm>>) dst(%arg9 : memref<128x128xf32, #tpu.memory_space<vmem>>)
        "tpu.region"() ({
          %run_scoped3A = tpu.sem_alloc : memref<!tpu.dma_semaphore, #tpu.memory_space<semaphore_mem>>
          %dma_start3A_27 = arith.constant 0 : i32
          %dma_start3A_28 = tpu.memref_slice %arg5[%mul3A_16, %dma_start3A_27] : memref<320000x128xf32, #tpu.memory_space<hbm>> -> memref<128x128xf32, #tpu.memory_space<hbm>>
          %dma_start3A_29 = arith.constant 0 : i32
          %dma_start3A_30 = tpu.memref_slice %arg5[%mul3A_16, %dma_start3A_29] : memref<320000x128xf32, #tpu.memory_space<hbm>> -> memref<128x128xf32, #tpu.memory_space<hbm>>
          tpu.enqueue_dma source(%arg9 : memref<128x128xf32, #tpu.memory_space<vmem>>) target(%dma_start3A_30 : memref<128x128xf32, #tpu.memory_space<hbm>>) target_semaphore(%run_scoped3A : memref<!tpu.dma_semaphore, #tpu.memory_space<semaphore_mem>>)
          %dma_wait3A_31 = arith.constant 0 : i32
          %dma_wait3A_32 = tpu.memref_slice %arg5[%mul3A_16, %dma_wait3A_31] : memref<320000x128xf32, #tpu.memory_space<hbm>> -> memref<128x128xf32, #tpu.memory_space<hbm>>
          %dma_wait3A_33 = arith.constant 0 : i32
          %dma_wait3A_34 = tpu.memref_slice %arg5[%mul3A_16, %dma_wait3A_33] : memref<320000x128xf32, #tpu.memory_space<hbm>> -> memref<128x128xf32, #tpu.memory_space<hbm>>
          tpu.wait_dma2 semaphore(%run_scoped3A : memref<!tpu.dma_semaphore, #tpu.memory_space<semaphore_mem>>) src(%arg9 : memref<128x128xf32, #tpu.memory_space<vmem>>) dst(%dma_wait3A_34 : memref<128x128xf32, #tpu.memory_space<hbm>>)
          tpu.yield
        }) : () -> ()
        %dma_wait3A_24 = arith.constant 0 : i32
        %dma_wait3A_25 = arith.constant 0 : i32
        %dma_wait3A_26 = tpu.memref_slice %arg2[%dma_wait3A_24, %dma_wait3A_25] : memref<10000x128xf32, #tpu.memory_space<hbm>> -> memref<10000x128xf32, #tpu.memory_space<hbm>>
        tpu.wait_indirect_dma semaphore(%arg11 : memref<!tpu.dma_semaphore, #tpu.memory_space<semaphore_mem>>) src(%dma_wait3A_26 : memref<10000x128xf32, #tpu.memory_space<hbm>>) dst(%arg10 : memref<128x128xf32, #tpu.memory_space<vmem>>)
        "tpu.region"() ({
          %run_scoped3A = tpu.sem_alloc : memref<!tpu.dma_semaphore, #tpu.memory_space<semaphore_mem>>
          %dma_start3A_27 = arith.constant 0 : i32
          %dma_start3A_28 = tpu.memref_slice %arg6[%mul3A_16, %dma_start3A_27] : memref<320000x128xf32, #tpu.memory_space<hbm>> -> memref<128x128xf32, #tpu.memory_space<hbm>>
          %dma_start3A_29 = arith.constant 0 : i32
          %dma_start3A_30 = tpu.memref_slice %arg6[%mul3A_16, %dma_start3A_29] : memref<320000x128xf32, #tpu.memory_space<hbm>> -> memref<128x128xf32, #tpu.memory_space<hbm>>
          tpu.enqueue_dma source(%arg10 : memref<128x128xf32, #tpu.memory_space<vmem>>) target(%dma_start3A_30 : memref<128x128xf32, #tpu.memory_space<hbm>>) target_semaphore(%run_scoped3A : memref<!tpu.dma_semaphore, #tpu.memory_space<semaphore_mem>>)
          %dma_wait3A_31 = arith.constant 0 : i32
          %dma_wait3A_32 = tpu.memref_slice %arg6[%mul3A_16, %dma_wait3A_31] : memref<320000x128xf32, #tpu.memory_space<hbm>> -> memref<128x128xf32, #tpu.memory_space<hbm>>
          %dma_wait3A_33 = arith.constant 0 : i32
          %dma_wait3A_34 = tpu.memref_slice %arg6[%mul3A_16, %dma_wait3A_33] : memref<320000x128xf32, #tpu.memory_space<hbm>> -> memref<128x128xf32, #tpu.memory_space<hbm>>
          tpu.wait_dma2 semaphore(%run_scoped3A : memref<!tpu.dma_semaphore, #tpu.memory_space<semaphore_mem>>) src(%arg10 : memref<128x128xf32, #tpu.memory_space<vmem>>) dst(%dma_wait3A_34 : memref<128x128xf32, #tpu.memory_space<hbm>>)
          tpu.yield
        }) : () -> ()
      } else {
      }
    }
    %scan3A_4 = arith.constant 79 : i32
    return
  }
}

#map = affine_map<(d0, d1) -> (0, 0)>
#map1 = affine_map<(d0, d1) -> (0)>
module attributes {stable_mosaic.version = 14 : i64} {
  func.func @_scatter_body(%arg0: i32, %arg1: i32, %arg2: memref<320000x128xf32, #tpu.memory_space<hbm>>, %arg3: memref<320000xi32, #tpu.memory_space<hbm>>, %arg4: memref<20480x128xf32, #tpu.memory_space<hbm>>, %arg5: memref<128xi32, #tpu.memory_space<vmem>>, %arg6: memref<128x128xf32, #tpu.memory_space<vmem>>, %arg7: memref<10240x128xf32, #tpu.memory_space<vmem_shared>>, %arg8: memref<!tpu.dma_semaphore, #tpu.memory_space<semaphore_mem>>) attributes {dimension_semantics = [#tpu.dimension_semantics<core_parallel>, #tpu.dimension_semantics<subcore_parallel>], iteration_bounds = array<i64: 2, 16>, scalar_prefetch = 0 : i64, scratch_operands = 4 : i64, tpu.core_type = #tpu.core_type<sc_vector_subcore>, window_params = [{transform_indices = #map}, {transform_indices = #map1}, {transform_indices = #map}]} {
    %mul3A = arith.constant 2 : i32
    %mul3A_0 = arith.muli %arg1, %mul3A : i32
    %add3A = arith.addi %mul3A_0, %arg0 : i32
    %broadcast_in_dim3A = arith.constant 0.000000e+00 : f32
    %broadcast_in_dim3A_1 = vector.broadcast %broadcast_in_dim3A : f32 to vector<16xf32>
    %scan3A = arith.constant 0 : i32
    %scan3A_2 = arith.constant 128 : i32
    %scan3A_3 = arith.addi %scan3A, %scan3A_2 : i32
    %scan3A_4 = arith.constant 1 : i32
    scf.for %scan3A_39 = %scan3A to %scan3A_3 step %scan3A_4  : i32 {
      %mul3A_40 = arith.constant 1 : i32
      %mul3A_41 = arith.muli %scan3A_39, %mul3A_40 : i32
      %add3A_42 = arith.constant 0 : i32
      %add3A_43 = arith.addi %add3A_42, %mul3A_41 : i32
      %swap3A = arith.index_cast %add3A_43 : i32 to index
      %swap3A_44 = arith.constant 0 : index
      %swap3A_45 = tpu.vector_load %arg6[%swap3A, %swap3A_44] {strides = array<i32>} : memref<128x128xf32, #tpu.memory_space<vmem>>, vector<1x16xf32>,
      %swap3A_46 = vector.shape_cast %swap3A_45 : vector<1x16xf32> to vector<16xf32>
      %swap3A_47 = vector.shape_cast %broadcast_in_dim3A_1 : vector<16xf32> to vector<1x16xf32>
      tpu.vector_store %arg6[%swap3A, %swap3A_44], %swap3A_47 {strides = array<i32>} : memref<128x128xf32, #tpu.memory_space<vmem>>, vector<1x16xf32>,
      %swap3A_48 = arith.index_cast %add3A_43 : i32 to index
      %swap3A_49 = arith.constant 16 : index
      %swap3A_50 = tpu.vector_load %arg6[%swap3A_48, %swap3A_49] {strides = array<i32>} : memref<128x128xf32, #tpu.memory_space<vmem>>, vector<1x16xf32>,
      %swap3A_51 = vector.shape_cast %swap3A_50 : vector<1x16xf32> to vector<16xf32>
      %swap3A_52 = vector.shape_cast %broadcast_in_dim3A_1 : vector<16xf32> to vector<1x16xf32>
      tpu.vector_store %arg6[%swap3A_48, %swap3A_49], %swap3A_52 {strides = array<i32>} : memref<128x128xf32, #tpu.memory_space<vmem>>, vector<1x16xf32>,
      %swap3A_53 = arith.index_cast %add3A_43 : i32 to index
      %swap3A_54 = arith.constant 32 : index
      %swap3A_55 = tpu.vector_load %arg6[%swap3A_53, %swap3A_54] {strides = array<i32>} : memref<128x128xf32, #tpu.memory_space<vmem>>, vector<1x16xf32>,
      %swap3A_56 = vector.shape_cast %swap3A_55 : vector<1x16xf32> to vector<16xf32>
      %swap3A_57 = vector.shape_cast %broadcast_in_dim3A_1 : vector<16xf32> to vector<1x16xf32>
      tpu.vector_store %arg6[%swap3A_53, %swap3A_54], %swap3A_57 {strides = array<i32>} : memref<128x128xf32, #tpu.memory_space<vmem>>, vector<1x16xf32>,
      %swap3A_58 = arith.index_cast %add3A_43 : i32 to index
      %swap3A_59 = arith.constant 48 : index
      %swap3A_60 = tpu.vector_load %arg6[%swap3A_58, %swap3A_59] {strides = array<i32>} : memref<128x128xf32, #tpu.memory_space<vmem>>, vector<1x16xf32>,
      %swap3A_61 = vector.shape_cast %swap3A_60 : vector<1x16xf32> to vector<16xf32>
      %swap3A_62 = vector.shape_cast %broadcast_in_dim3A_1 : vector<16xf32> to vector<1x16xf32>
      tpu.vector_store %arg6[%swap3A_58, %swap3A_59], %swap3A_62 {strides = array<i32>} : memref<128x128xf32, #tpu.memory_space<vmem>>, vector<1x16xf32>,
      %swap3A_63 = arith.index_cast %add3A_43 : i32 to index
      %swap3A_64 = arith.constant 64 : index
      %swap3A_65 = tpu.vector_load %arg6[%swap3A_63, %swap3A_64] {strides = array<i32>} : memref<128x128xf32, #tpu.memory_space<vmem>>, vector<1x16xf32>,
      %swap3A_66 = vector.shape_cast %swap3A_65 : vector<1x16xf32> to vector<16xf32>
      %swap3A_67 = vector.shape_cast %broadcast_in_dim3A_1 : vector<16xf32> to vector<1x16xf32>
      tpu.vector_store %arg6[%swap3A_63, %swap3A_64], %swap3A_67 {strides = array<i32>} : memref<128x128xf32, #tpu.memory_space<vmem>>, vector<1x16xf32>,
      %swap3A_68 = arith.index_cast %add3A_43 : i32 to index
      %swap3A_69 = arith.constant 80 : index
      %swap3A_70 = tpu.vector_load %arg6[%swap3A_68, %swap3A_69] {strides = array<i32>} : memref<128x128xf32, #tpu.memory_space<vmem>>, vector<1x16xf32>,
      %swap3A_71 = vector.shape_cast %swap3A_70 : vector<1x16xf32> to vector<16xf32>
      %swap3A_72 = vector.shape_cast %broadcast_in_dim3A_1 : vector<16xf32> to vector<1x16xf32>
      tpu.vector_store %arg6[%swap3A_68, %swap3A_69], %swap3A_72 {strides = array<i32>} : memref<128x128xf32, #tpu.memory_space<vmem>>, vector<1x16xf32>,
      %swap3A_73 = arith.index_cast %add3A_43 : i32 to index
      %swap3A_74 = arith.constant 96 : index
      %swap3A_75 = tpu.vector_load %arg6[%swap3A_73, %swap3A_74] {strides = array<i32>} : memref<128x128xf32, #tpu.memory_space<vmem>>, vector<1x16xf32>,
      %swap3A_76 = vector.shape_cast %swap3A_75 : vector<1x16xf32> to vector<16xf32>
      %swap3A_77 = vector.shape_cast %broadcast_in_dim3A_1 : vector<16xf32> to vector<1x16xf32>
      tpu.vector_store %arg6[%swap3A_73, %swap3A_74], %swap3A_77 {strides = array<i32>} : memref<128x128xf32, #tpu.memory_space<vmem>>, vector<1x16xf32>,
      %swap3A_78 = arith.index_cast %add3A_43 : i32 to index
      %swap3A_79 = arith.constant 112 : index
      %swap3A_80 = tpu.vector_load %arg6[%swap3A_78, %swap3A_79] {strides = array<i32>} : memref<128x128xf32, #tpu.memory_space<vmem>>, vector<1x16xf32>,
      %swap3A_81 = vector.shape_cast %swap3A_80 : vector<1x16xf32> to vector<16xf32>
      %swap3A_82 = vector.shape_cast %broadcast_in_dim3A_1 : vector<16xf32> to vector<1x16xf32>
      tpu.vector_store %arg6[%swap3A_78, %swap3A_79], %swap3A_82 {strides = array<i32>} : memref<128x128xf32, #tpu.memory_space<vmem>>, vector<1x16xf32>,
    }
    %scan3A_5 = arith.constant 128 : i32
    %mul3A_6 = arith.constant 640 : i32
    %mul3A_7 = arith.muli %arg1, %mul3A_6 : i32
    %add3A_8 = arith.constant 0 : i32
    %add3A_9 = arith.addi %mul3A_7, %add3A_8 : i32
    "tpu.region"() ({
      %run_scoped3A = tpu.sem_alloc : memref<!tpu.dma_semaphore, #tpu.memory_space<semaphore_mem>>
      %dma_start3A = arith.constant 0 : i32
      %dma_start3A_39 = tpu.memref_slice %arg7[%add3A_9, %dma_start3A] : memref<10240x128xf32, #tpu.memory_space<vmem_shared>> -> memref<128x128xf32, #tpu.memory_space<vmem_shared>>
      %dma_start3A_40 = arith.constant 0 : i32
      %dma_start3A_41 = tpu.memref_slice %arg7[%add3A_9, %dma_start3A_40] : memref<10240x128xf32, #tpu.memory_space<vmem_shared>> -> memref<128x128xf32, #tpu.memory_space<vmem_shared>>
      tpu.enqueue_dma source(%arg6 : memref<128x128xf32, #tpu.memory_space<vmem>>) target(%dma_start3A_41 : memref<128x128xf32, #tpu.memory_space<vmem_shared>>) target_semaphore(%run_scoped3A : memref<!tpu.dma_semaphore, #tpu.memory_space<semaphore_mem>>)
      %dma_wait3A = arith.constant 0 : i32
      %dma_wait3A_42 = tpu.memref_slice %arg7[%add3A_9, %dma_wait3A] : memref<10240x128xf32, #tpu.memory_space<vmem_shared>> -> memref<128x128xf32, #tpu.memory_space<vmem_shared>>
      %dma_wait3A_43 = arith.constant 0 : i32
      %dma_wait3A_44 = tpu.memref_slice %arg7[%add3A_9, %dma_wait3A_43] : memref<10240x128xf32, #tpu.memory_space<vmem_shared>> -> memref<128x128xf32, #tpu.memory_space<vmem_shared>>
      tpu.wait_dma2 semaphore(%run_scoped3A : memref<!tpu.dma_semaphore, #tpu.memory_space<semaphore_mem>>) src(%arg6 : memref<128x128xf32, #tpu.memory_space<vmem>>) dst(%dma_wait3A_44 : memref<128x128xf32, #tpu.memory_space<vmem_shared>>)
      tpu.yield
    }) : () -> ()
    %mul3A_10 = arith.constant 640 : i32
    %mul3A_11 = arith.muli %arg1, %mul3A_10 : i32
    %add3A_12 = arith.constant 128 : i32
    %add3A_13 = arith.addi %mul3A_11, %add3A_12 : i32
    "tpu.region"() ({
      %run_scoped3A = tpu.sem_alloc : memref<!tpu.dma_semaphore, #tpu.memory_space<semaphore_mem>>
      %dma_start3A = arith.constant 0 : i32
      %dma_start3A_39 = tpu.memref_slice %arg7[%add3A_13, %dma_start3A] : memref<10240x128xf32, #tpu.memory_space<vmem_shared>> -> memref<128x128xf32, #tpu.memory_space<vmem_shared>>
      %dma_start3A_40 = arith.constant 0 : i32
      %dma_start3A_41 = tpu.memref_slice %arg7[%add3A_13, %dma_start3A_40] : memref<10240x128xf32, #tpu.memory_space<vmem_shared>> -> memref<128x128xf32, #tpu.memory_space<vmem_shared>>
      tpu.enqueue_dma source(%arg6 : memref<128x128xf32, #tpu.memory_space<vmem>>) target(%dma_start3A_41 : memref<128x128xf32, #tpu.memory_space<vmem_shared>>) target_semaphore(%run_scoped3A : memref<!tpu.dma_semaphore, #tpu.memory_space<semaphore_mem>>)
      %dma_wait3A = arith.constant 0 : i32
      %dma_wait3A_42 = tpu.memref_slice %arg7[%add3A_13, %dma_wait3A] : memref<10240x128xf32, #tpu.memory_space<vmem_shared>> -> memref<128x128xf32, #tpu.memory_space<vmem_shared>>
      %dma_wait3A_43 = arith.constant 0 : i32
      %dma_wait3A_44 = tpu.memref_slice %arg7[%add3A_13, %dma_wait3A_43] : memref<10240x128xf32, #tpu.memory_space<vmem_shared>> -> memref<128x128xf32, #tpu.memory_space<vmem_shared>>
      tpu.wait_dma2 semaphore(%run_scoped3A : memref<!tpu.dma_semaphore, #tpu.memory_space<semaphore_mem>>) src(%arg6 : memref<128x128xf32, #tpu.memory_space<vmem>>) dst(%dma_wait3A_44 : memref<128x128xf32, #tpu.memory_space<vmem_shared>>)
      tpu.yield
    }) : () -> ()
    %mul3A_14 = arith.constant 640 : i32
    %mul3A_15 = arith.muli %arg1, %mul3A_14 : i32
    %add3A_16 = arith.constant 256 : i32
    %add3A_17 = arith.addi %mul3A_15, %add3A_16 : i32
    "tpu.region"() ({
      %run_scoped3A = tpu.sem_alloc : memref<!tpu.dma_semaphore, #tpu.memory_space<semaphore_mem>>
      %dma_start3A = arith.constant 0 : i32
      %dma_start3A_39 = tpu.memref_slice %arg7[%add3A_17, %dma_start3A] : memref<10240x128xf32, #tpu.memory_space<vmem_shared>> -> memref<128x128xf32, #tpu.memory_space<vmem_shared>>
      %dma_start3A_40 = arith.constant 0 : i32
      %dma_start3A_41 = tpu.memref_slice %arg7[%add3A_17, %dma_start3A_40] : memref<10240x128xf32, #tpu.memory_space<vmem_shared>> -> memref<128x128xf32, #tpu.memory_space<vmem_shared>>
      tpu.enqueue_dma source(%arg6 : memref<128x128xf32, #tpu.memory_space<vmem>>) target(%dma_start3A_41 : memref<128x128xf32, #tpu.memory_space<vmem_shared>>) target_semaphore(%run_scoped3A : memref<!tpu.dma_semaphore, #tpu.memory_space<semaphore_mem>>)
      %dma_wait3A = arith.constant 0 : i32
      %dma_wait3A_42 = tpu.memref_slice %arg7[%add3A_17, %dma_wait3A] : memref<10240x128xf32, #tpu.memory_space<vmem_shared>> -> memref<128x128xf32, #tpu.memory_space<vmem_shared>>
      %dma_wait3A_43 = arith.constant 0 : i32
      %dma_wait3A_44 = tpu.memref_slice %arg7[%add3A_17, %dma_wait3A_43] : memref<10240x128xf32, #tpu.memory_space<vmem_shared>> -> memref<128x128xf32, #tpu.memory_space<vmem_shared>>
      tpu.wait_dma2 semaphore(%run_scoped3A : memref<!tpu.dma_semaphore, #tpu.memory_space<semaphore_mem>>) src(%arg6 : memref<128x128xf32, #tpu.memory_space<vmem>>) dst(%dma_wait3A_44 : memref<128x128xf32, #tpu.memory_space<vmem_shared>>)
      tpu.yield
    }) : () -> ()
    %mul3A_18 = arith.constant 640 : i32
    %mul3A_19 = arith.muli %arg1, %mul3A_18 : i32
    %add3A_20 = arith.constant 384 : i32
    %add3A_21 = arith.addi %mul3A_19, %add3A_20 : i32
    "tpu.region"() ({
      %run_scoped3A = tpu.sem_alloc : memref<!tpu.dma_semaphore, #tpu.memory_space<semaphore_mem>>
      %dma_start3A = arith.constant 0 : i32
      %dma_start3A_39 = tpu.memref_slice %arg7[%add3A_21, %dma_start3A] : memref<10240x128xf32, #tpu.memory_space<vmem_shared>> -> memref<128x128xf32, #tpu.memory_space<vmem_shared>>
      %dma_start3A_40 = arith.constant 0 : i32
      %dma_start3A_41 = tpu.memref_slice %arg7[%add3A_21, %dma_start3A_40] : memref<10240x128xf32, #tpu.memory_space<vmem_shared>> -> memref<128x128xf32, #tpu.memory_space<vmem_shared>>
      tpu.enqueue_dma source(%arg6 : memref<128x128xf32, #tpu.memory_space<vmem>>) target(%dma_start3A_41 : memref<128x128xf32, #tpu.memory_space<vmem_shared>>) target_semaphore(%run_scoped3A : memref<!tpu.dma_semaphore, #tpu.memory_space<semaphore_mem>>)
      %dma_wait3A = arith.constant 0 : i32
      %dma_wait3A_42 = tpu.memref_slice %arg7[%add3A_21, %dma_wait3A] : memref<10240x128xf32, #tpu.memory_space<vmem_shared>> -> memref<128x128xf32, #tpu.memory_space<vmem_shared>>
      %dma_wait3A_43 = arith.constant 0 : i32
      %dma_wait3A_44 = tpu.memref_slice %arg7[%add3A_21, %dma_wait3A_43] : memref<10240x128xf32, #tpu.memory_space<vmem_shared>> -> memref<128x128xf32, #tpu.memory_space<vmem_shared>>
      tpu.wait_dma2 semaphore(%run_scoped3A : memref<!tpu.dma_semaphore, #tpu.memory_space<semaphore_mem>>) src(%arg6 : memref<128x128xf32, #tpu.memory_space<vmem>>) dst(%dma_wait3A_44 : memref<128x128xf32, #tpu.memory_space<vmem_shared>>)
      tpu.yield
    }) : () -> ()
    %mul3A_22 = arith.constant 640 : i32
    %mul3A_23 = arith.muli %arg1, %mul3A_22 : i32
    %add3A_24 = arith.constant 512 : i32
    %add3A_25 = arith.addi %mul3A_23, %add3A_24 : i32
    "tpu.region"() ({
      %run_scoped3A = tpu.sem_alloc : memref<!tpu.dma_semaphore, #tpu.memory_space<semaphore_mem>>
      %dma_start3A = arith.constant 0 : i32
      %dma_start3A_39 = tpu.memref_slice %arg7[%add3A_25, %dma_start3A] : memref<10240x128xf32, #tpu.memory_space<vmem_shared>> -> memref<128x128xf32, #tpu.memory_space<vmem_shared>>
      %dma_start3A_40 = arith.constant 0 : i32
      %dma_start3A_41 = tpu.memref_slice %arg7[%add3A_25, %dma_start3A_40] : memref<10240x128xf32, #tpu.memory_space<vmem_shared>> -> memref<128x128xf32, #tpu.memory_space<vmem_shared>>
      tpu.enqueue_dma source(%arg6 : memref<128x128xf32, #tpu.memory_space<vmem>>) target(%dma_start3A_41 : memref<128x128xf32, #tpu.memory_space<vmem_shared>>) target_semaphore(%run_scoped3A : memref<!tpu.dma_semaphore, #tpu.memory_space<semaphore_mem>>)
      %dma_wait3A = arith.constant 0 : i32
      %dma_wait3A_42 = tpu.memref_slice %arg7[%add3A_25, %dma_wait3A] : memref<10240x128xf32, #tpu.memory_space<vmem_shared>> -> memref<128x128xf32, #tpu.memory_space<vmem_shared>>
      %dma_wait3A_43 = arith.constant 0 : i32
      %dma_wait3A_44 = tpu.memref_slice %arg7[%add3A_25, %dma_wait3A_43] : memref<10240x128xf32, #tpu.memory_space<vmem_shared>> -> memref<128x128xf32, #tpu.memory_space<vmem_shared>>
      tpu.wait_dma2 semaphore(%run_scoped3A : memref<!tpu.dma_semaphore, #tpu.memory_space<semaphore_mem>>) src(%arg6 : memref<128x128xf32, #tpu.memory_space<vmem>>) dst(%dma_wait3A_44 : memref<128x128xf32, #tpu.memory_space<vmem_shared>>)
      tpu.yield
    }) : () -> ()
    %barrier3A = arith.constant 0 : index
    tpu.barrier barrier_id(%barrier3A)
    %scan3A_26 = arith.constant 0 : i32
    %scan3A_27 = arith.constant 79 : i32
    %scan3A_28 = arith.addi %scan3A_26, %scan3A_27 : i32
    %scan3A_29 = arith.constant 1 : i32
    scf.for %scan3A_39 = %scan3A_26 to %scan3A_28 step %scan3A_29  : i32 {
      %mul3A_40 = arith.constant 1 : i32
      %mul3A_41 = arith.muli %scan3A_39, %mul3A_40 : i32
      %add3A_42 = arith.constant 0 : i32
      %add3A_43 = arith.addi %add3A_42, %mul3A_41 : i32
      %mul3A_44 = arith.constant 32 : i32
      %mul3A_45 = arith.muli %mul3A_44, %add3A_43 : i32
      %add3A_46 = arith.addi %add3A, %mul3A_45 : i32
      %lt3A = arith.constant 2500 : i32
      %lt3A_47 = arith.cmpi slt, %add3A_46, %lt3A : i32
      %convert_element_type3A = arith.extui %lt3A_47 : i1 to i32
      %cond3A = arith.constant 0 : i32
      %cond3A_48 = arith.cmpi ne, %convert_element_type3A, %cond3A : i32
      scf.if %cond3A_48 {
        %mul3A_49 = arith.constant 128 : i32
        %mul3A_50 = arith.muli %add3A_46, %mul3A_49 : i32
        "tpu.region"() ({
          %run_scoped3A = tpu.sem_alloc : memref<!tpu.dma_semaphore, #tpu.memory_space<semaphore_mem>>
          %dma_start3A = tpu.memref_slice %arg3[%mul3A_50] : memref<320000xi32, #tpu.memory_space<hbm>> -> memref<128xi32, #tpu.memory_space<hbm>>
          %dma_start3A_51 = tpu.memref_slice %arg3[%mul3A_50] : memref<320000xi32, #tpu.memory_space<hbm>> -> memref<128xi32, #tpu.memory_space<hbm>>
          tpu.enqueue_dma source(%dma_start3A_51 : memref<128xi32, #tpu.memory_space<hbm>>) target(%arg5 : memref<128xi32, #tpu.memory_space<vmem>>) target_semaphore(%run_scoped3A : memref<!tpu.dma_semaphore, #tpu.memory_space<semaphore_mem>>)
          %dma_wait3A = tpu.memref_slice %arg3[%mul3A_50] : memref<320000xi32, #tpu.memory_space<hbm>> -> memref<128xi32, #tpu.memory_space<hbm>>
          %dma_wait3A_52 = tpu.memref_slice %arg3[%mul3A_50] : memref<320000xi32, #tpu.memory_space<hbm>> -> memref<128xi32, #tpu.memory_space<hbm>>
          tpu.wait_dma2 semaphore(%run_scoped3A : memref<!tpu.dma_semaphore, #tpu.memory_space<semaphore_mem>>) src(%dma_wait3A_52 : memref<128xi32, #tpu.memory_space<hbm>>) dst(%arg5 : memref<128xi32, #tpu.memory_space<vmem>>)
          tpu.yield
        }) : () -> ()
        "tpu.region"() ({
          %run_scoped3A = tpu.sem_alloc : memref<!tpu.dma_semaphore, #tpu.memory_space<semaphore_mem>>
          %dma_start3A = arith.constant 0 : i32
          %dma_start3A_51 = tpu.memref_slice %arg2[%mul3A_50, %dma_start3A] : memref<320000x128xf32, #tpu.memory_space<hbm>> -> memref<128x128xf32, #tpu.memory_space<hbm>>
          %dma_start3A_52 = arith.constant 0 : i32
          %dma_start3A_53 = tpu.memref_slice %arg2[%mul3A_50, %dma_start3A_52] : memref<320000x128xf32, #tpu.memory_space<hbm>> -> memref<128x128xf32, #tpu.memory_space<hbm>>
          tpu.enqueue_dma source(%dma_start3A_53 : memref<128x128xf32, #tpu.memory_space<hbm>>) target(%arg6 : memref<128x128xf32, #tpu.memory_space<vmem>>) target_semaphore(%run_scoped3A : memref<!tpu.dma_semaphore, #tpu.memory_space<semaphore_mem>>)
          %dma_wait3A = arith.constant 0 : i32
          %dma_wait3A_54 = tpu.memref_slice %arg2[%mul3A_50, %dma_wait3A] : memref<320000x128xf32, #tpu.memory_space<hbm>> -> memref<128x128xf32, #tpu.memory_space<hbm>>
          %dma_wait3A_55 = arith.constant 0 : i32
          %dma_wait3A_56 = tpu.memref_slice %arg2[%mul3A_50, %dma_wait3A_55] : memref<320000x128xf32, #tpu.memory_space<hbm>> -> memref<128x128xf32, #tpu.memory_space<hbm>>
          tpu.wait_dma2 semaphore(%run_scoped3A : memref<!tpu.dma_semaphore, #tpu.memory_space<semaphore_mem>>) src(%dma_wait3A_56 : memref<128x128xf32, #tpu.memory_space<hbm>>) dst(%arg6 : memref<128x128xf32, #tpu.memory_space<vmem>>)
          tpu.yield
        }) : () -> ()
        "tpu.region"() ({
          %run_scoped3A = tpu.sem_alloc : memref<!tpu.dma_semaphore, #tpu.memory_space<semaphore_mem>>
          %dma_start3A = arith.constant 0 : i32
          %dma_start3A_51 = arith.constant 0 : i32
          %dma_start3A_52 = tpu.memref_slice %arg7[%dma_start3A, %dma_start3A_51] : memref<10240x128xf32, #tpu.memory_space<vmem_shared>> -> memref<10240x128xf32, #tpu.memory_space<vmem_shared>>
          tpu.enqueue_indirect_dma source(%arg6 : memref<128x128xf32, #tpu.memory_space<vmem>>) target(%dma_start3A_52 : memref<10240x128xf32, #tpu.memory_space<vmem_shared>>) offsets(%arg5 : memref<128xi32, #tpu.memory_space<vmem>>) semaphore(%run_scoped3A : memref<!tpu.dma_semaphore, #tpu.memory_space<semaphore_mem>>) {add = true}
          %dma_wait3A = arith.constant 0 : i32
          %dma_wait3A_53 = arith.constant 0 : i32
          %dma_wait3A_54 = tpu.memref_slice %arg7[%dma_wait3A, %dma_wait3A_53] : memref<10240x128xf32, #tpu.memory_space<vmem_shared>> -> memref<10240x128xf32, #tpu.memory_space<vmem_shared>>
          tpu.wait_indirect_dma semaphore(%run_scoped3A : memref<!tpu.dma_semaphore, #tpu.memory_space<semaphore_mem>>) src(%arg6 : memref<128x128xf32, #tpu.memory_space<vmem>>) dst(%dma_wait3A_54 : memref<10240x128xf32, #tpu.memory_space<vmem_shared>>)
          tpu.yield
        }) : () -> ()
      } else {
      }
    }
    %scan3A_30 = arith.constant 79 : i32
    %barrier3A_31 = arith.constant 0 : index
    tpu.barrier barrier_id(%barrier3A_31)
    %mul3A_32 = arith.constant 640 : i32
    %mul3A_33 = arith.muli %arg1, %mul3A_32 : i32
    %mul3A_34 = arith.constant 10240 : i32
    %mul3A_35 = arith.muli %arg0, %mul3A_34 : i32
    %mul3A_36 = arith.constant 640 : i32
    %mul3A_37 = arith.muli %arg1, %mul3A_36 : i32
    %add3A_38 = arith.addi %mul3A_35, %mul3A_37 : i32
    "tpu.region"() ({
      %run_scoped3A = tpu.sem_alloc : memref<!tpu.dma_semaphore, #tpu.memory_space<semaphore_mem>>
      %dma_start3A = arith.constant 0 : i32
      %dma_start3A_39 = tpu.memref_slice %arg4[%add3A_38, %dma_start3A] : memref<20480x128xf32, #tpu.memory_space<hbm>> -> memref<640x128xf32, #tpu.memory_space<hbm>>
      %dma_start3A_40 = arith.constant 0 : i32
      %dma_start3A_41 = tpu.memref_slice %arg7[%mul3A_33, %dma_start3A_40] : memref<10240x128xf32, #tpu.memory_space<vmem_shared>> -> memref<640x128xf32, #tpu.memory_space<vmem_shared>>
      tpu.enqueue_dma source(%dma_start3A_41 : memref<640x128xf32, #tpu.memory_space<vmem_shared>>) target(%dma_start3A_39 : memref<640x128xf32, #tpu.memory_space<hbm>>) target_semaphore(%run_scoped3A : memref<!tpu.dma_semaphore, #tpu.memory_space<semaphore_mem>>)
      %dma_wait3A = arith.constant 0 : i32
      %dma_wait3A_42 = tpu.memref_slice %arg4[%add3A_38, %dma_wait3A] : memref<20480x128xf32, #tpu.memory_space<hbm>> -> memref<640x128xf32, #tpu.memory_space<hbm>>
      %dma_wait3A_43 = arith.constant 0 : i32
      %dma_wait3A_44 = tpu.memref_slice %arg7[%mul3A_33, %dma_wait3A_43] : memref<10240x128xf32, #tpu.memory_space<vmem_shared>> -> memref<640x128xf32, #tpu.memory_space<vmem_shared>>
      tpu.wait_dma2 semaphore(%run_scoped3A : memref<!tpu.dma_semaphore, #tpu.memory_space<semaphore_mem>>) src(%dma_wait3A_44 : memref<640x128xf32, #tpu.memory_space<vmem_shared>>) dst(%dma_wait3A_42 : memref<640x128xf32, #tpu.memory_space<hbm>>)
      tpu.yield
    }) : () -> ()
    return
  }
}

#map = affine_map<(d0, d1) -> (0)>
#map1 = affine_map<(d0, d1) -> (0, 0)>
module attributes {stable_mosaic.version = 14 : i64} {
  func.func @_count_body(%arg0: i32, %arg1: i32, %arg2: memref<320000xi32, #tpu.memory_space<hbm>>, %arg3: memref<320000x16xf32, #tpu.memory_space<hbm>>, %arg4: memref<20480x128xf32, #tpu.memory_space<hbm>>, %arg5: memref<128xi32, #tpu.memory_space<vmem>>, %arg6: memref<128x16xf32, #tpu.memory_space<vmem>>, %arg7: memref<128x128xf32, #tpu.memory_space<vmem>>, %arg8: memref<10240x128xf32, #tpu.memory_space<vmem_shared>>, %arg9: memref<!tpu.dma_semaphore, #tpu.memory_space<semaphore_mem>>) attributes {dimension_semantics = [#tpu.dimension_semantics<core_parallel>, #tpu.dimension_semantics<subcore_parallel>], iteration_bounds = array<i64: 2, 16>, scalar_prefetch = 0 : i64, scratch_operands = 5 : i64, tpu.core_type = #tpu.core_type<sc_vector_subcore>, window_params = [{transform_indices = #map}, {transform_indices = #map1}, {transform_indices = #map1}]} {
    %mul3A = arith.constant 2 : i32
    %mul3A_0 = arith.muli %arg1, %mul3A : i32
    %add3A = arith.addi %mul3A_0, %arg0 : i32
    %broadcast_in_dim3A = arith.constant 0.000000e+00 : f32
    %broadcast_in_dim3A_1 = vector.broadcast %broadcast_in_dim3A : f32 to vector<16xf32>
    %scan3A = arith.constant 0 : i32
    %scan3A_2 = arith.constant 128 : i32
    %scan3A_3 = arith.addi %scan3A, %scan3A_2 : i32
    %scan3A_4 = arith.constant 1 : i32
    scf.for %scan3A_39 = %scan3A to %scan3A_3 step %scan3A_4  : i32 {
      %mul3A_40 = arith.constant 1 : i32
      %mul3A_41 = arith.muli %scan3A_39, %mul3A_40 : i32
      %add3A_42 = arith.constant 0 : i32
      %add3A_43 = arith.addi %add3A_42, %mul3A_41 : i32
      %swap3A = arith.index_cast %add3A_43 : i32 to index
      %swap3A_44 = arith.constant 0 : index
      %swap3A_45 = tpu.vector_load %arg7[%swap3A, %swap3A_44] {strides = array<i32>} : memref<128x128xf32, #tpu.memory_space<vmem>>, vector<1x16xf32>,
      %swap3A_46 = vector.shape_cast %swap3A_45 : vector<1x16xf32> to vector<16xf32>
      %swap3A_47 = vector.shape_cast %broadcast_in_dim3A_1 : vector<16xf32> to vector<1x16xf32>
      tpu.vector_store %arg7[%swap3A, %swap3A_44], %swap3A_47 {strides = array<i32>} : memref<128x128xf32, #tpu.memory_space<vmem>>, vector<1x16xf32>,
      %swap3A_48 = arith.index_cast %add3A_43 : i32 to index
      %swap3A_49 = arith.constant 16 : index
      %swap3A_50 = tpu.vector_load %arg7[%swap3A_48, %swap3A_49] {strides = array<i32>} : memref<128x128xf32, #tpu.memory_space<vmem>>, vector<1x16xf32>,
      %swap3A_51 = vector.shape_cast %swap3A_50 : vector<1x16xf32> to vector<16xf32>
      %swap3A_52 = vector.shape_cast %broadcast_in_dim3A_1 : vector<16xf32> to vector<1x16xf32>
      tpu.vector_store %arg7[%swap3A_48, %swap3A_49], %swap3A_52 {strides = array<i32>} : memref<128x128xf32, #tpu.memory_space<vmem>>, vector<1x16xf32>,
      %swap3A_53 = arith.index_cast %add3A_43 : i32 to index
      %swap3A_54 = arith.constant 32 : index
      %swap3A_55 = tpu.vector_load %arg7[%swap3A_53, %swap3A_54] {strides = array<i32>} : memref<128x128xf32, #tpu.memory_space<vmem>>, vector<1x16xf32>,
      %swap3A_56 = vector.shape_cast %swap3A_55 : vector<1x16xf32> to vector<16xf32>
      %swap3A_57 = vector.shape_cast %broadcast_in_dim3A_1 : vector<16xf32> to vector<1x16xf32>
      tpu.vector_store %arg7[%swap3A_53, %swap3A_54], %swap3A_57 {strides = array<i32>} : memref<128x128xf32, #tpu.memory_space<vmem>>, vector<1x16xf32>,
      %swap3A_58 = arith.index_cast %add3A_43 : i32 to index
      %swap3A_59 = arith.constant 48 : index
      %swap3A_60 = tpu.vector_load %arg7[%swap3A_58, %swap3A_59] {strides = array<i32>} : memref<128x128xf32, #tpu.memory_space<vmem>>, vector<1x16xf32>,
      %swap3A_61 = vector.shape_cast %swap3A_60 : vector<1x16xf32> to vector<16xf32>
      %swap3A_62 = vector.shape_cast %broadcast_in_dim3A_1 : vector<16xf32> to vector<1x16xf32>
      tpu.vector_store %arg7[%swap3A_58, %swap3A_59], %swap3A_62 {strides = array<i32>} : memref<128x128xf32, #tpu.memory_space<vmem>>, vector<1x16xf32>,
      %swap3A_63 = arith.index_cast %add3A_43 : i32 to index
      %swap3A_64 = arith.constant 64 : index
      %swap3A_65 = tpu.vector_load %arg7[%swap3A_63, %swap3A_64] {strides = array<i32>} : memref<128x128xf32, #tpu.memory_space<vmem>>, vector<1x16xf32>,
      %swap3A_66 = vector.shape_cast %swap3A_65 : vector<1x16xf32> to vector<16xf32>
      %swap3A_67 = vector.shape_cast %broadcast_in_dim3A_1 : vector<16xf32> to vector<1x16xf32>
      tpu.vector_store %arg7[%swap3A_63, %swap3A_64], %swap3A_67 {strides = array<i32>} : memref<128x128xf32, #tpu.memory_space<vmem>>, vector<1x16xf32>,
      %swap3A_68 = arith.index_cast %add3A_43 : i32 to index
      %swap3A_69 = arith.constant 80 : index
      %swap3A_70 = tpu.vector_load %arg7[%swap3A_68, %swap3A_69] {strides = array<i32>} : memref<128x128xf32, #tpu.memory_space<vmem>>, vector<1x16xf32>,
      %swap3A_71 = vector.shape_cast %swap3A_70 : vector<1x16xf32> to vector<16xf32>
      %swap3A_72 = vector.shape_cast %broadcast_in_dim3A_1 : vector<16xf32> to vector<1x16xf32>
      tpu.vector_store %arg7[%swap3A_68, %swap3A_69], %swap3A_72 {strides = array<i32>} : memref<128x128xf32, #tpu.memory_space<vmem>>, vector<1x16xf32>,
      %swap3A_73 = arith.index_cast %add3A_43 : i32 to index
      %swap3A_74 = arith.constant 96 : index
      %swap3A_75 = tpu.vector_load %arg7[%swap3A_73, %swap3A_74] {strides = array<i32>} : memref<128x128xf32, #tpu.memory_space<vmem>>, vector<1x16xf32>,
      %swap3A_76 = vector.shape_cast %swap3A_75 : vector<1x16xf32> to vector<16xf32>
      %swap3A_77 = vector.shape_cast %broadcast_in_dim3A_1 : vector<16xf32> to vector<1x16xf32>
      tpu.vector_store %arg7[%swap3A_73, %swap3A_74], %swap3A_77 {strides = array<i32>} : memref<128x128xf32, #tpu.memory_space<vmem>>, vector<1x16xf32>,
      %swap3A_78 = arith.index_cast %add3A_43 : i32 to index
      %swap3A_79 = arith.constant 112 : index
      %swap3A_80 = tpu.vector_load %arg7[%swap3A_78, %swap3A_79] {strides = array<i32>} : memref<128x128xf32, #tpu.memory_space<vmem>>, vector<1x16xf32>,
      %swap3A_81 = vector.shape_cast %swap3A_80 : vector<1x16xf32> to vector<16xf32>
      %swap3A_82 = vector.shape_cast %broadcast_in_dim3A_1 : vector<16xf32> to vector<1x16xf32>
      tpu.vector_store %arg7[%swap3A_78, %swap3A_79], %swap3A_82 {strides = array<i32>} : memref<128x128xf32, #tpu.memory_space<vmem>>, vector<1x16xf32>,
    }
    %scan3A_5 = arith.constant 128 : i32
    %mul3A_6 = arith.constant 640 : i32
    %mul3A_7 = arith.muli %arg1, %mul3A_6 : i32
    %add3A_8 = arith.constant 0 : i32
    %add3A_9 = arith.addi %mul3A_7, %add3A_8 : i32
    "tpu.region"() ({
      %run_scoped3A = tpu.sem_alloc : memref<!tpu.dma_semaphore, #tpu.memory_space<semaphore_mem>>
      %dma_start3A = arith.constant 0 : i32
      %dma_start3A_39 = tpu.memref_slice %arg8[%add3A_9, %dma_start3A] : memref<10240x128xf32, #tpu.memory_space<vmem_shared>> -> memref<128x128xf32, #tpu.memory_space<vmem_shared>>
      %dma_start3A_40 = arith.constant 0 : i32
      %dma_start3A_41 = tpu.memref_slice %arg8[%add3A_9, %dma_start3A_40] : memref<10240x128xf32, #tpu.memory_space<vmem_shared>> -> memref<128x128xf32, #tpu.memory_space<vmem_shared>>
      tpu.enqueue_dma source(%arg7 : memref<128x128xf32, #tpu.memory_space<vmem>>) target(%dma_start3A_41 : memref<128x128xf32, #tpu.memory_space<vmem_shared>>) target_semaphore(%run_scoped3A : memref<!tpu.dma_semaphore, #tpu.memory_space<semaphore_mem>>)
      %dma_wait3A = arith.constant 0 : i32
      %dma_wait3A_42 = tpu.memref_slice %arg8[%add3A_9, %dma_wait3A] : memref<10240x128xf32, #tpu.memory_space<vmem_shared>> -> memref<128x128xf32, #tpu.memory_space<vmem_shared>>
      %dma_wait3A_43 = arith.constant 0 : i32
      %dma_wait3A_44 = tpu.memref_slice %arg8[%add3A_9, %dma_wait3A_43] : memref<10240x128xf32, #tpu.memory_space<vmem_shared>> -> memref<128x128xf32, #tpu.memory_space<vmem_shared>>
      tpu.wait_dma2 semaphore(%run_scoped3A : memref<!tpu.dma_semaphore, #tpu.memory_space<semaphore_mem>>) src(%arg7 : memref<128x128xf32, #tpu.memory_space<vmem>>) dst(%dma_wait3A_44 : memref<128x128xf32, #tpu.memory_space<vmem_shared>>)
      tpu.yield
    }) : () -> ()
    %mul3A_10 = arith.constant 640 : i32
    %mul3A_11 = arith.muli %arg1, %mul3A_10 : i32
    %add3A_12 = arith.constant 128 : i32
    %add3A_13 = arith.addi %mul3A_11, %add3A_12 : i32
    "tpu.region"() ({
      %run_scoped3A = tpu.sem_alloc : memref<!tpu.dma_semaphore, #tpu.memory_space<semaphore_mem>>
      %dma_start3A = arith.constant 0 : i32
      %dma_start3A_39 = tpu.memref_slice %arg8[%add3A_13, %dma_start3A] : memref<10240x128xf32, #tpu.memory_space<vmem_shared>> -> memref<128x128xf32, #tpu.memory_space<vmem_shared>>
      %dma_start3A_40 = arith.constant 0 : i32
      %dma_start3A_41 = tpu.memref_slice %arg8[%add3A_13, %dma_start3A_40] : memref<10240x128xf32, #tpu.memory_space<vmem_shared>> -> memref<128x128xf32, #tpu.memory_space<vmem_shared>>
      tpu.enqueue_dma source(%arg7 : memref<128x128xf32, #tpu.memory_space<vmem>>) target(%dma_start3A_41 : memref<128x128xf32, #tpu.memory_space<vmem_shared>>) target_semaphore(%run_scoped3A : memref<!tpu.dma_semaphore, #tpu.memory_space<semaphore_mem>>)
      %dma_wait3A = arith.constant 0 : i32
      %dma_wait3A_42 = tpu.memref_slice %arg8[%add3A_13, %dma_wait3A] : memref<10240x128xf32, #tpu.memory_space<vmem_shared>> -> memref<128x128xf32, #tpu.memory_space<vmem_shared>>
      %dma_wait3A_43 = arith.constant 0 : i32
      %dma_wait3A_44 = tpu.memref_slice %arg8[%add3A_13, %dma_wait3A_43] : memref<10240x128xf32, #tpu.memory_space<vmem_shared>> -> memref<128x128xf32, #tpu.memory_space<vmem_shared>>
      tpu.wait_dma2 semaphore(%run_scoped3A : memref<!tpu.dma_semaphore, #tpu.memory_space<semaphore_mem>>) src(%arg7 : memref<128x128xf32, #tpu.memory_space<vmem>>) dst(%dma_wait3A_44 : memref<128x128xf32, #tpu.memory_space<vmem_shared>>)
      tpu.yield
    }) : () -> ()
    %mul3A_14 = arith.constant 640 : i32
    %mul3A_15 = arith.muli %arg1, %mul3A_14 : i32
    %add3A_16 = arith.constant 256 : i32
    %add3A_17 = arith.addi %mul3A_15, %add3A_16 : i32
    "tpu.region"() ({
      %run_scoped3A = tpu.sem_alloc : memref<!tpu.dma_semaphore, #tpu.memory_space<semaphore_mem>>
      %dma_start3A = arith.constant 0 : i32
      %dma_start3A_39 = tpu.memref_slice %arg8[%add3A_17, %dma_start3A] : memref<10240x128xf32, #tpu.memory_space<vmem_shared>> -> memref<128x128xf32, #tpu.memory_space<vmem_shared>>
      %dma_start3A_40 = arith.constant 0 : i32
      %dma_start3A_41 = tpu.memref_slice %arg8[%add3A_17, %dma_start3A_40] : memref<10240x128xf32, #tpu.memory_space<vmem_shared>> -> memref<128x128xf32, #tpu.memory_space<vmem_shared>>
      tpu.enqueue_dma source(%arg7 : memref<128x128xf32, #tpu.memory_space<vmem>>) target(%dma_start3A_41 : memref<128x128xf32, #tpu.memory_space<vmem_shared>>) target_semaphore(%run_scoped3A : memref<!tpu.dma_semaphore, #tpu.memory_space<semaphore_mem>>)
      %dma_wait3A = arith.constant 0 : i32
      %dma_wait3A_42 = tpu.memref_slice %arg8[%add3A_17, %dma_wait3A] : memref<10240x128xf32, #tpu.memory_space<vmem_shared>> -> memref<128x128xf32, #tpu.memory_space<vmem_shared>>
      %dma_wait3A_43 = arith.constant 0 : i32
      %dma_wait3A_44 = tpu.memref_slice %arg8[%add3A_17, %dma_wait3A_43] : memref<10240x128xf32, #tpu.memory_space<vmem_shared>> -> memref<128x128xf32, #tpu.memory_space<vmem_shared>>
      tpu.wait_dma2 semaphore(%run_scoped3A : memref<!tpu.dma_semaphore, #tpu.memory_space<semaphore_mem>>) src(%arg7 : memref<128x128xf32, #tpu.memory_space<vmem>>) dst(%dma_wait3A_44 : memref<128x128xf32, #tpu.memory_space<vmem_shared>>)
      tpu.yield
    }) : () -> ()
    %mul3A_18 = arith.constant 640 : i32
    %mul3A_19 = arith.muli %arg1, %mul3A_18 : i32
    %add3A_20 = arith.constant 384 : i32
    %add3A_21 = arith.addi %mul3A_19, %add3A_20 : i32
    "tpu.region"() ({
      %run_scoped3A = tpu.sem_alloc : memref<!tpu.dma_semaphore, #tpu.memory_space<semaphore_mem>>
      %dma_start3A = arith.constant 0 : i32
      %dma_start3A_39 = tpu.memref_slice %arg8[%add3A_21, %dma_start3A] : memref<10240x128xf32, #tpu.memory_space<vmem_shared>> -> memref<128x128xf32, #tpu.memory_space<vmem_shared>>
      %dma_start3A_40 = arith.constant 0 : i32
      %dma_start3A_41 = tpu.memref_slice %arg8[%add3A_21, %dma_start3A_40] : memref<10240x128xf32, #tpu.memory_space<vmem_shared>> -> memref<128x128xf32, #tpu.memory_space<vmem_shared>>
      tpu.enqueue_dma source(%arg7 : memref<128x128xf32, #tpu.memory_space<vmem>>) target(%dma_start3A_41 : memref<128x128xf32, #tpu.memory_space<vmem_shared>>) target_semaphore(%run_scoped3A : memref<!tpu.dma_semaphore, #tpu.memory_space<semaphore_mem>>)
      %dma_wait3A = arith.constant 0 : i32
      %dma_wait3A_42 = tpu.memref_slice %arg8[%add3A_21, %dma_wait3A] : memref<10240x128xf32, #tpu.memory_space<vmem_shared>> -> memref<128x128xf32, #tpu.memory_space<vmem_shared>>
      %dma_wait3A_43 = arith.constant 0 : i32
      %dma_wait3A_44 = tpu.memref_slice %arg8[%add3A_21, %dma_wait3A_43] : memref<10240x128xf32, #tpu.memory_space<vmem_shared>> -> memref<128x128xf32, #tpu.memory_space<vmem_shared>>
      tpu.wait_dma2 semaphore(%run_scoped3A : memref<!tpu.dma_semaphore, #tpu.memory_space<semaphore_mem>>) src(%arg7 : memref<128x128xf32, #tpu.memory_space<vmem>>) dst(%dma_wait3A_44 : memref<128x128xf32, #tpu.memory_space<vmem_shared>>)
      tpu.yield
    }) : () -> ()
    %mul3A_22 = arith.constant 640 : i32
    %mul3A_23 = arith.muli %arg1, %mul3A_22 : i32
    %add3A_24 = arith.constant 512 : i32
    %add3A_25 = arith.addi %mul3A_23, %add3A_24 : i32
    "tpu.region"() ({
      %run_scoped3A = tpu.sem_alloc : memref<!tpu.dma_semaphore, #tpu.memory_space<semaphore_mem>>
      %dma_start3A = arith.constant 0 : i32
      %dma_start3A_39 = tpu.memref_slice %arg8[%add3A_25, %dma_start3A] : memref<10240x128xf32, #tpu.memory_space<vmem_shared>> -> memref<128x128xf32, #tpu.memory_space<vmem_shared>>
      %dma_start3A_40 = arith.constant 0 : i32
      %dma_start3A_41 = tpu.memref_slice %arg8[%add3A_25, %dma_start3A_40] : memref<10240x128xf32, #tpu.memory_space<vmem_shared>> -> memref<128x128xf32, #tpu.memory_space<vmem_shared>>
      tpu.enqueue_dma source(%arg7 : memref<128x128xf32, #tpu.memory_space<vmem>>) target(%dma_start3A_41 : memref<128x128xf32, #tpu.memory_space<vmem_shared>>) target_semaphore(%run_scoped3A : memref<!tpu.dma_semaphore, #tpu.memory_space<semaphore_mem>>)
      %dma_wait3A = arith.constant 0 : i32
      %dma_wait3A_42 = tpu.memref_slice %arg8[%add3A_25, %dma_wait3A] : memref<10240x128xf32, #tpu.memory_space<vmem_shared>> -> memref<128x128xf32, #tpu.memory_space<vmem_shared>>
      %dma_wait3A_43 = arith.constant 0 : i32
      %dma_wait3A_44 = tpu.memref_slice %arg8[%add3A_25, %dma_wait3A_43] : memref<10240x128xf32, #tpu.memory_space<vmem_shared>> -> memref<128x128xf32, #tpu.memory_space<vmem_shared>>
      tpu.wait_dma2 semaphore(%run_scoped3A : memref<!tpu.dma_semaphore, #tpu.memory_space<semaphore_mem>>) src(%arg7 : memref<128x128xf32, #tpu.memory_space<vmem>>) dst(%dma_wait3A_44 : memref<128x128xf32, #tpu.memory_space<vmem_shared>>)
      tpu.yield
    }) : () -> ()
    %barrier3A = arith.constant 0 : index
    tpu.barrier barrier_id(%barrier3A)
    %scan3A_26 = arith.constant 0 : i32
    %scan3A_27 = arith.constant 79 : i32
    %scan3A_28 = arith.addi %scan3A_26, %scan3A_27 : i32
    %scan3A_29 = arith.constant 1 : i32
    scf.for %scan3A_39 = %scan3A_26 to %scan3A_28 step %scan3A_29  : i32 {
      %mul3A_40 = arith.constant 1 : i32
      %mul3A_41 = arith.muli %scan3A_39, %mul3A_40 : i32
      %add3A_42 = arith.constant 0 : i32
      %add3A_43 = arith.addi %add3A_42, %mul3A_41 : i32
      %mul3A_44 = arith.constant 32 : i32
      %mul3A_45 = arith.muli %mul3A_44, %add3A_43 : i32
      %add3A_46 = arith.addi %add3A, %mul3A_45 : i32
      %lt3A = arith.constant 2500 : i32
      %lt3A_47 = arith.cmpi slt, %add3A_46, %lt3A : i32
      %convert_element_type3A = arith.extui %lt3A_47 : i1 to i32
      %cond3A = arith.constant 0 : i32
      %cond3A_48 = arith.cmpi ne, %convert_element_type3A, %cond3A : i32
      scf.if %cond3A_48 {
        %mul3A_49 = arith.constant 128 : i32
        %mul3A_50 = arith.muli %add3A_46, %mul3A_49 : i32
        "tpu.region"() ({
          %run_scoped3A = tpu.sem_alloc : memref<!tpu.dma_semaphore, #tpu.memory_space<semaphore_mem>>
          %dma_start3A = tpu.memref_slice %arg2[%mul3A_50] : memref<320000xi32, #tpu.memory_space<hbm>> -> memref<128xi32, #tpu.memory_space<hbm>>
          %dma_start3A_56 = tpu.memref_slice %arg2[%mul3A_50] : memref<320000xi32, #tpu.memory_space<hbm>> -> memref<128xi32, #tpu.memory_space<hbm>>
          tpu.enqueue_dma source(%dma_start3A_56 : memref<128xi32, #tpu.memory_space<hbm>>) target(%arg5 : memref<128xi32, #tpu.memory_space<vmem>>) target_semaphore(%run_scoped3A : memref<!tpu.dma_semaphore, #tpu.memory_space<semaphore_mem>>)
          %dma_wait3A = tpu.memref_slice %arg2[%mul3A_50] : memref<320000xi32, #tpu.memory_space<hbm>> -> memref<128xi32, #tpu.memory_space<hbm>>
          %dma_wait3A_57 = tpu.memref_slice %arg2[%mul3A_50] : memref<320000xi32, #tpu.memory_space<hbm>> -> memref<128xi32, #tpu.memory_space<hbm>>
          tpu.wait_dma2 semaphore(%run_scoped3A : memref<!tpu.dma_semaphore, #tpu.memory_space<semaphore_mem>>) src(%dma_wait3A_57 : memref<128xi32, #tpu.memory_space<hbm>>) dst(%arg5 : memref<128xi32, #tpu.memory_space<vmem>>)
          tpu.yield
        }) : () -> ()
        "tpu.region"() ({
          %run_scoped3A = tpu.sem_alloc : memref<!tpu.dma_semaphore, #tpu.memory_space<semaphore_mem>>
          %dma_start3A = arith.constant 0 : i32
          %dma_start3A_56 = tpu.memref_slice %arg3[%mul3A_50, %dma_start3A] : memref<320000x16xf32, #tpu.memory_space<hbm>> -> memref<128x16xf32, #tpu.memory_space<hbm>>
          %dma_start3A_57 = arith.constant 0 : i32
          %dma_start3A_58 = tpu.memref_slice %arg3[%mul3A_50, %dma_start3A_57] : memref<320000x16xf32, #tpu.memory_space<hbm>> -> memref<128x16xf32, #tpu.memory_space<hbm>>
          tpu.enqueue_dma source(%dma_start3A_58 : memref<128x16xf32, #tpu.memory_space<hbm>>) target(%arg6 : memref<128x16xf32, #tpu.memory_space<vmem>>) target_semaphore(%run_scoped3A : memref<!tpu.dma_semaphore, #tpu.memory_space<semaphore_mem>>)
          %dma_wait3A = arith.constant 0 : i32
          %dma_wait3A_59 = tpu.memref_slice %arg3[%mul3A_50, %dma_wait3A] : memref<320000x16xf32, #tpu.memory_space<hbm>> -> memref<128x16xf32, #tpu.memory_space<hbm>>
          %dma_wait3A_60 = arith.constant 0 : i32
          %dma_wait3A_61 = tpu.memref_slice %arg3[%mul3A_50, %dma_wait3A_60] : memref<320000x16xf32, #tpu.memory_space<hbm>> -> memref<128x16xf32, #tpu.memory_space<hbm>>
          tpu.wait_dma2 semaphore(%run_scoped3A : memref<!tpu.dma_semaphore, #tpu.memory_space<semaphore_mem>>) src(%dma_wait3A_61 : memref<128x16xf32, #tpu.memory_space<hbm>>) dst(%arg6 : memref<128x16xf32, #tpu.memory_space<vmem>>)
          tpu.yield
        }) : () -> ()
        %scan3A_51 = arith.constant 0 : i32
        %scan3A_52 = arith.constant 128 : i32
        %scan3A_53 = arith.addi %scan3A_51, %scan3A_52 : i32
        %scan3A_54 = arith.constant 1 : i32
        scf.for %scan3A_56 = %scan3A_51 to %scan3A_53 step %scan3A_54  : i32 {
          %mul3A_57 = arith.constant 1 : i32
          %mul3A_58 = arith.muli %scan3A_56, %mul3A_57 : i32
          %add3A_59 = arith.constant 0 : i32
          %add3A_60 = arith.addi %add3A_59, %mul3A_58 : i32
          %get3A = arith.index_cast %add3A_60 : i32 to index
          %get3A_61 = arith.constant 0 : index
          %get3A_62 = tpu.vector_load %arg6[%get3A, %get3A_61] {strides = array<i32>} : memref<128x16xf32, #tpu.memory_space<vmem>>, vector<1x16xf32>,
          %get3A_63 = vector.shape_cast %get3A_62 : vector<1x16xf32> to vector<16xf32>
          %swap3A = arith.index_cast %add3A_60 : i32 to index
          %swap3A_64 = arith.constant 0 : index
          %swap3A_65 = tpu.vector_load %arg7[%swap3A, %swap3A_64] {strides = array<i32>} : memref<128x128xf32, #tpu.memory_space<vmem>>, vector<1x16xf32>,
          %swap3A_66 = vector.shape_cast %swap3A_65 : vector<1x16xf32> to vector<16xf32>
          %swap3A_67 = vector.shape_cast %get3A_63 : vector<16xf32> to vector<1x16xf32>
          tpu.vector_store %arg7[%swap3A, %swap3A_64], %swap3A_67 {strides = array<i32>} : memref<128x128xf32, #tpu.memory_space<vmem>>, vector<1x16xf32>,
        }
        %scan3A_55 = arith.constant 128 : i32
        "tpu.region"() ({
          %run_scoped3A = tpu.sem_alloc : memref<!tpu.dma_semaphore, #tpu.memory_space<semaphore_mem>>
          %dma_start3A = arith.constant 0 : i32
          %dma_start3A_56 = arith.constant 0 : i32
          %dma_start3A_57 = tpu.memref_slice %arg8[%dma_start3A, %dma_start3A_56] : memref<10240x128xf32, #tpu.memory_space<vmem_shared>> -> memref<10240x128xf32, #tpu.memory_space<vmem_shared>>
          tpu.enqueue_indirect_dma source(%arg7 : memref<128x128xf32, #tpu.memory_space<vmem>>) target(%dma_start3A_57 : memref<10240x128xf32, #tpu.memory_space<vmem_shared>>) offsets(%arg5 : memref<128xi32, #tpu.memory_space<vmem>>) semaphore(%run_scoped3A : memref<!tpu.dma_semaphore, #tpu.memory_space<semaphore_mem>>) {add = true}
          %dma_wait3A = arith.constant 0 : i32
          %dma_wait3A_58 = arith.constant 0 : i32
          %dma_wait3A_59 = tpu.memref_slice %arg8[%dma_wait3A, %dma_wait3A_58] : memref<10240x128xf32, #tpu.memory_space<vmem_shared>> -> memref<10240x128xf32, #tpu.memory_space<vmem_shared>>
          tpu.wait_indirect_dma semaphore(%run_scoped3A : memref<!tpu.dma_semaphore, #tpu.memory_space<semaphore_mem>>) src(%arg7 : memref<128x128xf32, #tpu.memory_space<vmem>>) dst(%dma_wait3A_59 : memref<10240x128xf32, #tpu.memory_space<vmem_shared>>)
          tpu.yield
        }) : () -> ()
      } else {
      }
    }
    %scan3A_30 = arith.constant 79 : i32
    %barrier3A_31 = arith.constant 0 : index
    tpu.barrier barrier_id(%barrier3A_31)
    %mul3A_32 = arith.constant 640 : i32
    %mul3A_33 = arith.muli %arg1, %mul3A_32 : i32
    %mul3A_34 = arith.constant 10240 : i32
    %mul3A_35 = arith.muli %arg0, %mul3A_34 : i32
    %mul3A_36 = arith.constant 640 : i32
    %mul3A_37 = arith.muli %arg1, %mul3A_36 : i32
    %add3A_38 = arith.addi %mul3A_35, %mul3A_37 : i32
    "tpu.region"() ({
      %run_scoped3A = tpu.sem_alloc : memref<!tpu.dma_semaphore, #tpu.memory_space<semaphore_mem>>
      %dma_start3A = arith.constant 0 : i32
      %dma_start3A_39 = tpu.memref_slice %arg4[%add3A_38, %dma_start3A] : memref<20480x128xf32, #tpu.memory_space<hbm>> -> memref<640x128xf32, #tpu.memory_space<hbm>>
      %dma_start3A_40 = arith.constant 0 : i32
      %dma_start3A_41 = tpu.memref_slice %arg8[%mul3A_33, %dma_start3A_40] : memref<10240x128xf32, #tpu.memory_space<vmem_shared>> -> memref<640x128xf32, #tpu.memory_space<vmem_shared>>
      tpu.enqueue_dma source(%dma_start3A_41 : memref<640x128xf32, #tpu.memory_space<vmem_shared>>) target(%dma_start3A_39 : memref<640x128xf32, #tpu.memory_space<hbm>>) target_semaphore(%run_scoped3A : memref<!tpu.dma_semaphore, #tpu.memory_space<semaphore_mem>>)
      %dma_wait3A = arith.constant 0 : i32
      %dma_wait3A_42 = tpu.memref_slice %arg4[%add3A_38, %dma_wait3A] : memref<20480x128xf32, #tpu.memory_space<hbm>> -> memref<640x128xf32, #tpu.memory_space<hbm>>
      %dma_wait3A_43 = arith.constant 0 : i32
      %dma_wait3A_44 = tpu.memref_slice %arg8[%mul3A_33, %dma_wait3A_43] : memref<10240x128xf32, #tpu.memory_space<vmem_shared>> -> memref<640x128xf32, #tpu.memory_space<vmem_shared>>
      tpu.wait_dma2 semaphore(%run_scoped3A : memref<!tpu.dma_semaphore, #tpu.memory_space<semaphore_mem>>) src(%dma_wait3A_44 : memref<640x128xf32, #tpu.memory_space<vmem_shared>>) dst(%dma_wait3A_42 : memref<640x128xf32, #tpu.memory_space<hbm>>)
      tpu.yield
    }) : () -> ()
    return
  }
}

module attributes {stable_mosaic.version = 14 : i64} {
  func.func @_msg_body(%arg0: i32, %arg1: memref<2000x128xf32, #tpu.memory_space<vmem>>, %arg2: memref<2000x128xf32, #tpu.memory_space<vmem>>, %arg3: memref<2000x8xf32, #tpu.memory_space<vmem>>, %arg4: memref<256x128xbf16, #tpu.memory_space<vmem>>, %arg5: memref<8x128xbf16, #tpu.memory_space<vmem>>, %arg6: memref<1x128xf32, #tpu.memory_space<vmem>>, %arg7: memref<2000x128xf32, #tpu.memory_space<vmem>>) attributes {dimension_semantics = [#tpu.dimension_semantics<arbitrary>], iteration_bounds = array<i64: 160>, scalar_prefetch = 0 : i64, scratch_operands = 0 : i64, tpu.core_type = #tpu.core_type<tc>, window_params = [{transform_indices = @transform_0, window_bounds = array<i64: 2000, 128>}, {transform_indices = @transform_1, window_bounds = array<i64: 2000, 128>}, {transform_indices = @transform_2, window_bounds = array<i64: 2000, 8>}, {pipeline_mode = #tpu.pipeline_mode<synchronous>, transform_indices = @transform_3, window_bounds = array<i64: 256, 128>}, {pipeline_mode = #tpu.pipeline_mode<synchronous>, transform_indices = @transform_4, window_bounds = array<i64: 8, 128>}, {pipeline_mode = #tpu.pipeline_mode<synchronous>, transform_indices = @transform_5, window_bounds = array<i64: 1, 128>}, {transform_indices = @transform_6, window_bounds = array<i64: 2000, 128>}]} {
    %get3A = arith.constant 0 : index
    %get3A_0 = arith.constant 0 : index
    %get3A_1 = vector.load %arg1[%get3A, %get3A_0] : memref<2000x128xf32, #tpu.memory_space<vmem>>, vector<2000x128xf32>
    %convert_element_type3A = arith.truncf %get3A_1 : vector<2000x128xf32> to vector<2000x128xbf16>
    %get3A_2 = arith.constant 0 : index
    %get3A_3 = arith.constant 0 : index
    %get3A_4 = vector.load %arg2[%get3A_2, %get3A_3] : memref<2000x128xf32, #tpu.memory_space<vmem>>, vector<2000x128xf32>
    %convert_element_type3A_5 = arith.truncf %get3A_4 : vector<2000x128xf32> to vector<2000x128xbf16>
    %concatenate3A = tpu.concatenate %convert_element_type3A, %convert_element_type3A_5 in 1 : vector<2000x128xbf16>, vector<2000x128xbf16> -> vector<2000x256xbf16>
    %get3A_6 = arith.constant 0 : index
    %get3A_7 = arith.constant 0 : index
    %get3A_8 = vector.load %arg4[%get3A_6, %get3A_7] : memref<256x128xbf16, #tpu.memory_space<vmem>>, vector<256x128xbf16>
    %dot_general3A = arith.constant dense<0.000000e+00> : vector<2000x128xf32>
    %dot_general3A_9 = tpu.matmul %concatenate3A, %get3A_8, %dot_general3A {dimension_numbers = #tpu.dot_dimension_numbers<[1], [0], [0], [1], [0, 0, 1, 1], [], []>, transpose_lhs_hint = false} : vector<2000x256xbf16>, vector<256x128xbf16>, vector<2000x128xf32> -> vector<2000x128xf32>
    %get3A_10 = arith.constant 0 : index
    %get3A_11 = arith.constant 0 : index
    %get3A_12 = vector.load %arg3[%get3A_10, %get3A_11] : memref<2000x8xf32, #tpu.memory_space<vmem>>, vector<2000x8xf32>
    %convert_element_type3A_13 = arith.truncf %get3A_12 : vector<2000x8xf32> to vector<2000x8xbf16>
    %get3A_14 = arith.constant 0 : index
    %get3A_15 = arith.constant 0 : index
    %get3A_16 = vector.load %arg5[%get3A_14, %get3A_15] : memref<8x128xbf16, #tpu.memory_space<vmem>>, vector<8x128xbf16>
    %dot_general3A_17 = arith.constant dense<0.000000e+00> : vector<2000x128xf32>
    %dot_general3A_18 = tpu.matmul %convert_element_type3A_13, %get3A_16, %dot_general3A_17 {dimension_numbers = #tpu.dot_dimension_numbers<[1], [0], [0], [1], [0, 0, 1, 1], [], []>, transpose_lhs_hint = false} : vector<2000x8xbf16>, vector<8x128xbf16>, vector<2000x128xf32> -> vector<2000x128xf32>
    %add3A = arith.addf %dot_general3A_9, %dot_general3A_18 : vector<2000x128xf32>
    %get3A_19 = arith.constant 0 : index
    %get3A_20 = arith.constant 0 : index
    %get3A_21 = vector.load %arg6[%get3A_19, %get3A_20] : memref<1x128xf32, #tpu.memory_space<vmem>>, vector<1x128xf32>
    %add3A_22 = vector.broadcast %get3A_21 : vector<1x128xf32> to vector<2000x128xf32>
    %add3A_23 = arith.addf %add3A, %add3A_22 : vector<2000x128xf32>
    %swap3A = arith.constant 0 : index
    %swap3A_24 = arith.constant 0 : index
    %swap3A_25 = vector.load %arg7[%swap3A, %swap3A_24] : memref<2000x128xf32, #tpu.memory_space<vmem>>, vector<2000x128xf32>
    tpu.vector_store %arg7[%swap3A, %swap3A_24], %add3A_23 {strides = array<i32>} : memref<2000x128xf32, #tpu.memory_space<vmem>>, vector<2000x128xf32>,
    return
  }
  func.func @transform_0(%arg0: i32) -> (i32, i32) {
    %c0_i32 = arith.constant 0 : i32
    %c0_i32_0 = arith.constant 0 : i32
    return %arg0, %c0_i32 : i32, i32
  }
  func.func @transform_1(%arg0: i32) -> (i32, i32) {
    %c0_i32 = arith.constant 0 : i32
    %c0_i32_0 = arith.constant 0 : i32
    return %arg0, %c0_i32 : i32, i32
  }
  func.func @transform_2(%arg0: i32) -> (i32, i32) {
    %c0_i32 = arith.constant 0 : i32
    %c0_i32_0 = arith.constant 0 : i32
    return %arg0, %c0_i32 : i32, i32
  }
  func.func @transform_3(%arg0: i32) -> (i32, i32) {
    %c0_i32 = arith.constant 0 : i32
    %c0_i32_0 = arith.constant 0 : i32
    %c0_i32_1 = arith.constant 0 : i32
    return %c0_i32, %c0_i32_0 : i32, i32
  }
  func.func @transform_4(%arg0: i32) -> (i32, i32) {
    %c0_i32 = arith.constant 0 : i32
    %c0_i32_0 = arith.constant 0 : i32
    %c0_i32_1 = arith.constant 0 : i32
    return %c0_i32, %c0_i32_0 : i32, i32
  }
  func.func @transform_5(%arg0: i32) -> (i32, i32) {
    %c0_i32 = arith.constant 0 : i32
    %c0_i32_0 = arith.constant 0 : i32
    %c0_i32_1 = arith.constant 0 : i32
    return %c0_i32, %c0_i32_0 : i32, i32
  }
  func.func @transform_6(%arg0: i32) -> (i32, i32) {
    %c0_i32 = arith.constant 0 : i32
    %c0_i32_0 = arith.constant 0 : i32
    return %arg0, %c0_i32 : i32, i32
  }
}

module attributes {stable_mosaic.version = 14 : i64} {
  func.func @_final_body(%arg0: i32, %arg1: memref<2000x128xf32, #tpu.memory_space<vmem>>, %arg2: memref<2x2000x128xf32, #tpu.memory_space<vmem>>, %arg3: memref<2x2000x128xf32, #tpu.memory_space<vmem>>, %arg4: memref<256x128xbf16, #tpu.memory_space<vmem>>, %arg5: memref<128x1xbf16, #tpu.memory_space<vmem>>, %arg6: memref<1x128xf32, #tpu.memory_space<vmem>>, %arg7: memref<1x1xf32, #tpu.memory_space<vmem>>, %arg8: memref<2000x1xi32, #tpu.memory_space<vmem>>, %arg9: memref<2000x1xf32, #tpu.memory_space<vmem>>) attributes {dimension_semantics = [#tpu.dimension_semantics<arbitrary>], iteration_bounds = array<i64: 5>, scalar_prefetch = 0 : i64, scratch_operands = 0 : i64, tpu.core_type = #tpu.core_type<tc>, window_params = [{transform_indices = @transform_0, window_bounds = array<i64: 2000, 128>}, {transform_indices = @transform_1, window_bounds = array<i64: 2, 2000, 128>}, {transform_indices = @transform_2, window_bounds = array<i64: 2, 2000, 128>}, {pipeline_mode = #tpu.pipeline_mode<synchronous>, transform_indices = @transform_3, window_bounds = array<i64: 256, 128>}, {pipeline_mode = #tpu.pipeline_mode<synchronous>, transform_indices = @transform_4, window_bounds = array<i64: 128, 1>}, {pipeline_mode = #tpu.pipeline_mode<synchronous>, transform_indices = @transform_5, window_bounds = array<i64: 1, 128>}, {pipeline_mode = #tpu.pipeline_mode<synchronous>, transform_indices = @transform_6, window_bounds = array<i64: 1, 1>}, {transform_indices = @transform_7, window_bounds = array<i64: 2000, 1>}, {transform_indices = @transform_8, window_bounds = array<i64: 2000, 1>}]} {
    %get3A = arith.constant 0 : index
    %get3A_0 = arith.constant 0 : index
    %get3A_1 = arith.constant 0 : index
    %get3A_2 = vector.load %arg2[%get3A, %get3A_0, %get3A_1] : memref<2x2000x128xf32, #tpu.memory_space<vmem>>, vector<1x2000x128xf32>
    %get3A_3 = vector.shape_cast %get3A_2 : vector<1x2000x128xf32> to vector<2000x128xf32>
    %get3A_4 = arith.constant 1 : index
    %get3A_5 = arith.constant 0 : index
    %get3A_6 = arith.constant 0 : index
    %get3A_7 = vector.load %arg2[%get3A_4, %get3A_5, %get3A_6] : memref<2x2000x128xf32, #tpu.memory_space<vmem>>, vector<1x2000x128xf32>
    %get3A_8 = vector.shape_cast %get3A_7 : vector<1x2000x128xf32> to vector<2000x128xf32>
    %add3A = arith.addf %get3A_3, %get3A_8 : vector<2000x128xf32>
    %get3A_9 = arith.constant 0 : index
    %get3A_10 = arith.constant 0 : index
    %get3A_11 = arith.constant 0 : index
    %get3A_12 = vector.load %arg3[%get3A_9, %get3A_10, %get3A_11] : memref<2x2000x128xf32, #tpu.memory_space<vmem>>, vector<1x2000x128xf32>
    %get3A_13 = vector.shape_cast %get3A_12 : vector<1x2000x128xf32> to vector<2000x128xf32>
    %slice3A = vector.extract_strided_slice %get3A_13 {offsets = [0, 4], sizes = [2000, 1], strides = [1, 1]} : vector<2000x128xf32> to vector<2000x1xf32>
    %get3A_14 = arith.constant 1 : index
    %get3A_15 = arith.constant 0 : index
    %get3A_16 = arith.constant 0 : index
    %get3A_17 = vector.load %arg3[%get3A_14, %get3A_15, %get3A_16] : memref<2x2000x128xf32, #tpu.memory_space<vmem>>, vector<1x2000x128xf32>
    %get3A_18 = vector.shape_cast %get3A_17 : vector<1x2000x128xf32> to vector<2000x128xf32>
    %slice3A_19 = vector.extract_strided_slice %get3A_18 {offsets = [0, 4], sizes = [2000, 1], strides = [1, 1]} : vector<2000x128xf32> to vector<2000x1xf32>
    %add3A_20 = arith.addf %slice3A, %slice3A_19 : vector<2000x1xf32>
    %jit3A = arith.constant 1.000000e+00 : f32
    %max3A = vector.broadcast %jit3A : f32 to vector<2000x1xf32>
    %max3A_21 = arith.maximumf %max3A, %add3A_20 : vector<2000x1xf32>
    %div3A = vector.broadcast %max3A_21 : vector<2000x1xf32> to vector<2000x128xf32>
    %div3A_22 = arith.divf %add3A, %div3A : vector<2000x128xf32>
    %get3A_23 = arith.constant 0 : index
    %get3A_24 = arith.constant 0 : index
    %get3A_25 = vector.load %arg1[%get3A_23, %get3A_24] : memref<2000x128xf32, #tpu.memory_space<vmem>>, vector<2000x128xf32>
    %convert_element_type3A = arith.truncf %get3A_25 : vector<2000x128xf32> to vector<2000x128xbf16>
    %convert_element_type3A_26 = arith.truncf %div3A_22 : vector<2000x128xf32> to vector<2000x128xbf16>
    %concatenate3A = tpu.concatenate %convert_element_type3A, %convert_element_type3A_26 in 1 : vector<2000x128xbf16>, vector<2000x128xbf16> -> vector<2000x256xbf16>
    %get3A_27 = arith.constant 0 : index
    %get3A_28 = arith.constant 0 : index
    %get3A_29 = vector.load %arg4[%get3A_27, %get3A_28] : memref<256x128xbf16, #tpu.memory_space<vmem>>, vector<256x128xbf16>
    %dot_general3A = arith.constant dense<0.000000e+00> : vector<2000x128xf32>
    %dot_general3A_30 = tpu.matmul %concatenate3A, %get3A_29, %dot_general3A {dimension_numbers = #tpu.dot_dimension_numbers<[1], [0], [0], [1], [0, 0, 1, 1], [], []>, transpose_lhs_hint = false} : vector<2000x256xbf16>, vector<256x128xbf16>, vector<2000x128xf32> -> vector<2000x128xf32>
    %get3A_31 = arith.constant 0 : index
    %get3A_32 = arith.constant 0 : index
    %get3A_33 = vector.load %arg6[%get3A_31, %get3A_32] : memref<1x128xf32, #tpu.memory_space<vmem>>, vector<1x128xf32>
    %add3A_34 = vector.broadcast %get3A_33 : vector<1x128xf32> to vector<2000x128xf32>
    %add3A_35 = arith.addf %dot_general3A_30, %add3A_34 : vector<2000x128xf32>
    %convert_element_type3A_36 = arith.truncf %add3A_35 : vector<2000x128xf32> to vector<2000x128xbf16>
    %get3A_37 = arith.constant 0 : index
    %get3A_38 = arith.constant 0 : index
    %get3A_39 = vector.load %arg5[%get3A_37, %get3A_38] : memref<128x1xbf16, #tpu.memory_space<vmem>>, vector<128x1xbf16>
    %dot_general3A_40 = arith.constant dense<0.000000e+00> : vector<2000x1xf32>
    %dot_general3A_41 = tpu.matmul %convert_element_type3A_36, %get3A_39, %dot_general3A_40 {dimension_numbers = #tpu.dot_dimension_numbers<[1], [0], [0], [1], [0, 0, 1, 1], [], []>, transpose_lhs_hint = false} : vector<2000x128xbf16>, vector<128x1xbf16>, vector<2000x1xf32> -> vector<2000x1xf32>
    %get3A_42 = arith.constant 0 : index
    %get3A_43 = arith.constant 0 : index
    %get3A_44 = vector.load %arg7[%get3A_42, %get3A_43] : memref<1x1xf32, #tpu.memory_space<vmem>>, vector<1x1xf32>
    %add3A_45 = vector.broadcast %get3A_44 : vector<1x1xf32> to vector<2000x1xf32>
    %add3A_46 = arith.addf %dot_general3A_41, %add3A_45 : vector<2000x1xf32>
    %logistic3A = arith.negf %add3A_46 : vector<2000x1xf32>
    %logistic3A_47 = math.exp %logistic3A : vector<2000x1xf32>
    %logistic3A_48 = arith.constant 1.000000e+00 : f32
    %logistic3A_49 = vector.broadcast %logistic3A_48 : f32 to vector<2000x1xf32>
    %logistic3A_50 = arith.addf %logistic3A_49, %logistic3A_47 : vector<2000x1xf32>
    %logistic3A_51 = arith.divf %logistic3A_49, %logistic3A_50 : vector<2000x1xf32>
    %swap3A = arith.constant 0 : index
    %swap3A_52 = arith.constant 0 : index
    %swap3A_53 = vector.load %arg9[%swap3A, %swap3A_52] : memref<2000x1xf32, #tpu.memory_space<vmem>>, vector<2000x1xf32>
    tpu.vector_store %arg9[%swap3A, %swap3A_52], %logistic3A_51 {strides = array<i32>} : memref<2000x1xf32, #tpu.memory_space<vmem>>, vector<2000x1xf32>,
    %gt3A = arith.constant 5.000000e-01 : f32
    %gt3A_54 = vector.broadcast %gt3A : f32 to vector<2000x1xf32>
    %gt3A_55 = arith.cmpf ogt, %logistic3A_51, %gt3A_54 : vector<2000x1xf32>
    %swap3A_56 = arith.constant 0 : index
    %swap3A_57 = arith.constant 0 : index
    %swap3A_58 = vector.load %arg8[%swap3A_56, %swap3A_57] : memref<2000x1xi32, #tpu.memory_space<vmem>>, vector<2000x1xi32>
    %swap3A_59 = arith.extui %gt3A_55 : vector<2000x1xi1> to vector<2000x1xi32>
    %swap3A_60 = arith.constant dense<0> : vector<2000x1xi32>
    %swap3A_61 = arith.cmpi ne, %swap3A_58, %swap3A_60 : vector<2000x1xi32>
    tpu.vector_store %arg8[%swap3A_56, %swap3A_57], %swap3A_59 {strides = array<i32>} : memref<2000x1xi32, #tpu.memory_space<vmem>>, vector<2000x1xi32>,
    return
  }
  func.func @transform_0(%arg0: i32) -> (i32, i32) {
    %c0_i32 = arith.constant 0 : i32
    %c0_i32_0 = arith.constant 0 : i32
    return %arg0, %c0_i32 : i32, i32
  }
  func.func @transform_1(%arg0: i32) -> (i32, i32, i32) {
    %c0_i32 = arith.constant 0 : i32
    %c0_i32_0 = arith.constant 0 : i32
    %c0_i32_1 = arith.constant 0 : i32
    return %c0_i32, %arg0, %c0_i32_0 : i32, i32, i32
  }
  func.func @transform_2(%arg0: i32) -> (i32, i32, i32) {
    %c0_i32 = arith.constant 0 : i32
    %c0_i32_0 = arith.constant 0 : i32
    %c0_i32_1 = arith.constant 0 : i32
    return %c0_i32, %arg0, %c0_i32_0 : i32, i32, i32
  }
  func.func @transform_3(%arg0: i32) -> (i32, i32) {
    %c0_i32 = arith.constant 0 : i32
    %c0_i32_0 = arith.constant 0 : i32
    %c0_i32_1 = arith.constant 0 : i32
    return %c0_i32, %c0_i32_0 : i32, i32
  }
  func.func @transform_4(%arg0: i32) -> (i32, i32) {
    %c0_i32 = arith.constant 0 : i32
    %c0_i32_0 = arith.constant 0 : i32
    %c0_i32_1 = arith.constant 0 : i32
    return %c0_i32, %c0_i32_0 : i32, i32
  }
  func.func @transform_5(%arg0: i32) -> (i32, i32) {
    %c0_i32 = arith.constant 0 : i32
    %c0_i32_0 = arith.constant 0 : i32
    %c0_i32_1 = arith.constant 0 : i32
    return %c0_i32, %c0_i32_0 : i32, i32
  }
  func.func @transform_6(%arg0: i32) -> (i32, i32) {
    %c0_i32 = arith.constant 0 : i32
    %c0_i32_0 = arith.constant 0 : i32
    %c0_i32_1 = arith.constant 0 : i32
    return %c0_i32, %c0_i32_0 : i32, i32
  }
  func.func @transform_7(%arg0: i32) -> (i32, i32) {
    %c0_i32 = arith.constant 0 : i32
    %c0_i32_0 = arith.constant 0 : i32
    return %arg0, %c0_i32 : i32, i32
  }
  func.func @transform_8(%arg0: i32) -> (i32, i32) {
    %c0_i32 = arith.constant 0 : i32
    %c0_i32_0 = arith.constant 0 : i32
    return %arg0, %c0_i32 : i32, i32
  }
}

</mosaic_0001>

<sc_bundles>
// kernel: kernel.10.cloned.1.call-start
scs
__scs_entry_jumppad:
0x0: {  	(pc) =	sbr.rel $0x88, $3  }
0x1: {  	(tag) =	ssettag $0x0;
	lr =	simm.s32 $0x1  }
0x2: {  	[smem:$0x3F98] =	sst lr;
	_ =	strace $0xD0000000  }
0x3: {  	_ = 	snop  }
0x4: {  	_ = 	snop  }
0x5: {  	_ = 	snop  }
0x6: {  	_ = 	snop  }
0x7: {  	_ = 	snop  }
__scs_overlays_trampoline_lowered:
0x8: {  	[smem:$0x3FA7] =	sst s0  }
0x9: {  	[smem:$0x3FA8] =	sst s1  }
0xa: {  	[smem:$0x3FA9] =	sst s2  }
0xb: {  	[smem:$0x3FAA] =	sst s3  }
0xc: {  	[smem:$0x3FAB] =	sst s4  }
0xd: {  	[smem:$0x3FAC] =	sst s5  }
0xe: {  	[smem:$0x3FAD] =	sst s6  }
0xf: {  	[smem:$0x3FAE] =	sst s7  }
0x10: {  	[smem:$0x3FAF] =	sst s8  }
0x11: {  	[smem:$0x3FB0] =	sst s9;
	s0 =	simm.s32 @!p0 $0x0  }
0x12: {  	s1 =	sld [smem:$0x3F96];
	s0 =	simm.s32 @p0 $0x1  }
0x13: {  	[smem:$0x3FB1] =	sst s0;
	s0 =	simm.s32 @!p1 $0x0  }
0x14: {  	s2 =	sld [smem:$0x3F95];
	s0 =	simm.s32 @p1 $0x1  }
0x15: {  	[smem:$0x3FB2] =	sst s0;
	s0 =	simm.s32 @!p2 $0x0  }
0x16: {  	s3 =	sld [smem:$0x3FDB];
	s0 =	simm.s32 @p2 $0x1  }
0x17: {  	s4 =	simm.s32 $0x1BF5;
	[smem:$0x3FB4] =	sst s0  }
0x18: {  	s0 =	sld [smem:$0x3F97];
	_ =	swait.ge [sflag:s4], $0x0  }
0x19: {  	s7 =	sld [smem:$0x3F98]  }
0x1a: {  	s8 =	sadd.s32 $0xFFFFE003, lr  }
0x1b: {  	s9 =	sadd.s32 $0xFFFFFEF7, lr;
	s5 =	simm.s32 $0xFFFFFFFF;
	p2 =	slt.u32 s8, $0xFFFFF086  }
0x1c: {  	p1 =	slt.u32 s9, $0xF7A;
	s5 =	simm.s32 @!p2 $0x0  }
0x1d: {  	s5 =	simm.s32 @p1 $0x1;
	p0 =	seq.s32 s7, s2  }
0x1e: {  	s7 =	smul.u32 @!p0 $0xF7A, s2;
	p2 =	seq.s32 @!p0 s5, $0x0  }
0x1f: {  	s9 =	smul.u32 $0xF7A, s1;
	s8 =	simm.s32 @!p0 $0x1BF5;
	p2 =	por !p2, p0  }
0x20: {  	[sflag:s8] =	ssyncset.s32 @!p0 $0xFFFFF086;
	s6 =	sadd.s32 @!p0 s3, s7;
	s7 =	simm.s32 @!p0 $0x108  }
0x21: {  	s3 =	sadd.s32 s3, s9;
	s6 =	sadd.s32 @!p0 $0x88, s6;
	s7 =	simm.s32 @p2 $0x1082  }
0x22: {  	[simem:s7], [sflag:s8] =	dma.local @!p0 [hbm:s6], $0xF7A  }
0x23: {  	s9 =	sor.u32 $0xD0000000, s2;
	s6 =	simm.s32 $0x108;
	_ =	swait.ge @!p0 [sflag:s8], $0x0  }
0x24: {  	s3 =	sadd.s32 $0x88, s3;
	s6 =	simm.s32 @!p1 $0x1082;
	[sflag:s4] =	ssyncset.s32 $0xFFFFF086  }
0x25: {  	[simem:s6], [sflag:s4] =	dma.local [hbm:s3], $0xF7A  }
0x26: {  	[smem:$0x3F98] =	sst s1;
	(tag) =	ssettag s2;
	_ =	strace s9  }
0x27: {  	s1 =	sld [smem:$0x3FA8]  }
0x28: {  	s2 =	sld [smem:$0x3FA9]  }
0x29: {  	s4 =	sld [smem:$0x3FAB]  }
0x2a: {  	p0 =	seq.s32 s5, $0x0;
	s5 =	sld [smem:$0x3FAC]  }
0x2b: {  	s6 =	sld [smem:$0x3FAD]  }
0x2c: {  	s7 =	sld [smem:$0x3FAE]  }
0x2d: {  	s3 =	simm.s32 $0x108;
	s8 =	sld [smem:$0x3FAF]  }
0x2e: {  	s3 =	simm.s32 @!p0 $0x1082;
	s9 =	sld [smem:$0x3FB0]  }
0x2f: {  	lr =	sadd.s32 s0, s3;
	s0 =	sld [smem:$0x3FA7]  }
0x30: {  	s3 =	sld [smem:$0x3FAA]  }
0x31: {  	[smem:$0x3FB3] =	sst s10  }
0x32: {  	s10 =	sld [smem:$0x3FB1];
	_ =	sdelay $0x3  }
0x33: {  	p0 =	seq.s32 s10, $0x1;
	s10 =	sld [smem:$0x3FB3];
	_ =	sdelay $0x3  }
0x34: {  	[smem:$0x3FB3] =	sst s10  }
0x35: {  	s10 =	sld [smem:$0x3FB2];
	_ =	sdelay $0x3  }
0x36: {  	p1 =	seq.s32 s10, $0x1;
	s10 =	sld [smem:$0x3FB3];
	_ =	sdelay $0x3  }
0x37: {  	[smem:$0x3FB3] =	sst s10  }
0x38: {  	s10 =	sld [smem:$0x3FB4]  }
0x39: {  	_ = 	snop;
	(pc) =	sbr.ind lr, $3  }
0x3a: {  	_ = 	snop  }
0x3b: {  	_ = 	snop  }
0x3c: {  	p2 =	seq.s32 s10, $0x1;
	s10 =	sld [smem:$0x3FB3]  }
0x3d: {  	_ =	shalt  }
0x3e: {  	_ =	shalt  }
0x3f: {  	_ =	shalt  }
0x40: {  	_ =	shalt  }
0x41: {  	_ =	shalt  }
0x42: {  	_ =	shalt  }
0x43: {  	_ =	shalt  }
0x44: {  	_ =	shalt  }
0x45: {  	_ =	shalt  }
0x46: {  	_ =	shalt  }
0x47: {  	_ =	shalt  }
0x48: {  	_ =	shalt  }
0x49: {  	_ =	shalt  }
0x4a: {  	_ =	shalt  }
0x4b: {  	_ =	shalt  }
0x4c: {  	_ =	shalt  }
0x4d: {  	_ =	shalt  }
0x4e: {  	_ =	shalt  }
0x4f: {  	_ =	shalt  }
0x50: {  	_ =	shalt  }
0x51: {  	_ =	shalt  }
0x52: {  	_ =	shalt  }
0x53: {  	_ =	shalt  }
0x54: {  	_ =	shalt  }
0x55: {  	_ =	shalt  }
0x56: {  	_ =	shalt  }
0x57: {  	_ =	shalt  }
0x58: {  	_ =	shalt  }
0x59: {  	_ =	shalt  }
0x5a: {  	_ =	shalt  }
0x5b: {  	_ =	shalt  }
0x5c: {  	_ =	shalt  }
0x5d: {  	_ =	shalt  }
0x5e: {  	_ =	shalt  }
0x5f: {  	_ =	shalt  }
0x60: {  	_ =	shalt  }
0x61: {  	_ =	shalt  }
0x62: {  	_ =	shalt  }
0x63: {  	_ =	shalt  }
0x64: {  	_ =	shalt  }
0x65: {  	_ =	shalt  }
0x66: {  	_ =	shalt  }
0x67: {  	_ =	shalt  }
0x68: {  	_ =	shalt  }
0x69: {  	_ =	shalt  }
0x6a: {  	_ =	shalt  }
0x6b: {  	_ =	shalt  }
0x6c: {  	_ =	shalt  }
0x6d: {  	_ =	shalt  }
0x6e: {  	_ =	shalt  }
0x6f: {  	_ =	shalt  }
0x70: {  	_ =	shalt  }
0x71: {  	_ =	shalt  }
0x72: {  	_ =	shalt  }
0x73: {  	_ =	shalt  }
0x74: {  	_ =	shalt  }
0x75: {  	_ =	shalt  }
0x76: {  	_ =	shalt  }
0x77: {  	_ =	shalt  }
0x78: {  	_ =	shalt  }
0x79: {  	_ =	shalt  }
0x7a: {  	_ =	shalt  }
0x7b: {  	_ =	shalt  }
0x7c: {  	_ =	shalt  }
0x7d: {  	_ =	shalt  }
0x7e: {  	_ =	shalt  }
0x7f: {  	_ =	shalt  }
0x80: {  	_ =	shalt  }
0x81: {  	_ =	shalt  }
0x82: {  	_ =	shalt  }
0x83: {  	_ =	shalt  }
0x84: {  	_ =	shalt  }
0x85: {  	_ =	shalt  }
0x86: {  	_ =	shalt  }
0x87: {  	_ =	shalt  }
.Lfunc_end0:
.L_simem_size_0:
called_computation.1_lowered:
.L_overlay_start_0:
0x88: {  	s2 =	sld [smem:$0x3FD9]  }
0x89: {  	s3 =	sld [smem:$0x3FFE];
	_ =	sdelay $0x1  }
0x8a: {  	s1 =	srdreg.scid  }
0x8b: {  	s0 =	sand.u32 $0x1, s1  }
0x8c: {  	s17 =	sshll.u32 s0, $0xA;
	s2 =	sadd.s32 s3, s2  }
0x8d: {  	s2 =	sadd.s32 s2, s17  }
0x8e: {  	[smem:$0x3FBF] =	sst s2  }
0x8f: {  	_ = 	snop  }
0x90: {  	(tm) =	ssettm $0x1  }
0x91: {  	s18 =	sld [smem:$0x3FFB];
	_ =	sdelay $0x3  }
0x92: {  	_ =	strace s18  }
0x93: {  	s2 =	sld [smem:$0x3FFC];
	_ =	sdelay $0x3  }
0x94: {  	_ =	strace s2  }
0x95: {  	s2 =	sld [smem:$0x3FFD];
	_ =	sdelay $0x3  }
0x96: {  	_ =	strace s2  }
0x97: {  	_ =	strace $0x8FFFFFFF  }
0x98: {  	s19 =	sld [smem:$0x3FDB];
	_ =	sdelay $0x1  }
0x99: {  	s20 =	simm.s32 $_scs_section_size  }
0x9a: {  	s4 =	simm.s32 $_size__tile_overlayer_lowered;
	s5 =	simm.s32 $_tile_overlayer_lowered  }
0x9b: {  	s6 =	simm.s32 $0x1BFF;
	s21 =	sshll.u32 s5, $0x1;
	s3 =	sadd.s32 s20, s19  }
0x9c: {  	s22 =	simm.s32 $0x0;
	s4 =	sshll.u32 s4, $0x1;
	s5 =	sadd.s32 s21, s3  }
0x9d: {  	[timem:s22], [sflag:s6] =	dma.local [hbm:s5], s4  }
0x9e: {  	_ =	swait.ge [sflag:s6], s4  }
0x9f: {  	s4 =	ssub.s32 $0x0, s4;
	[sflag:s6] =	ssyncset.done $0x0  }
0xa0: {  	[sflag:s6] =	ssyncadd.s32 s4;
	_ =	sdelay $0x1  }
0xa1: {  	s23 =	simm.s32 $0x1B8B  }
0xa2: {  	_ =	swait.ge [sflag:s23], $0x1  }
0xa3: {  	[sflag:s23] =	ssyncset.done $0x0  }
0xa4: {  	[sflag:s23] =	ssyncadd.s32 $0xFFFFFFFF  }
0xa5: {  	s4 =	sld [smem:$0x0]  }
0xa6: {  	s5 =	sand.u32 $0xFFFFFFFE, s1  }
0xa7: {  	p0 =	sne.s32 s1, s5  }
0xa8: {  	s5 =	sshll.u32 @p0 s5, $0xE  }
0xa9: {  	s5 =	sadd.s32 @p0 $0x11B8D, s5;
	s6 =	sshll.u32 @p0 s4, $0x11  }
0xaa: {  	s5 =	sor.u32 @p0 s6, s5  }
0xab: {  	[sflag:s5] =	ssyncadd.remote.s32 @p0 $0x1;
	_ =	sdelay $0x1  }
0xac: {  	s5 =	simm.s32 @p0 $0x1B8D  }
0xad: {  	_ =	swait.eq @p0 [sflag:s5], $0x1  }
0xae: {  	[sflag:s5] =	ssyncadd.s32 @p0 $0xFFFFFFFF  }
0xaf: {  	s6 =	sshll.u32 @!p0 s1, $0xE  }
0xb0: {  	s6 =	sor.u32 @!p0 $0x4000, s6;
	s5 =	simm.s32 @!p0 $0x1B8D  }
0xb1: {  	s4 =	sshll.u32 @!p0 s4, $0x11;
	s6 =	sadd.s32 @!p0 $0x11B8D, s6;
	_ =	swait.eq @!p0 [sflag:s5], $0x1  }
0xb2: {  	s4 =	sor.u32 @!p0 s4, s6;
	[sflag:s5] =	ssyncadd.s32 @!p0 $0xFFFFFFFF  }
0xb3: {  	s25 =	simm.s32 $0x1B8E;
	s24 =	sld [smem:$0x3FFE];
	[sflag:s4] =	ssyncadd.remote.s32 @!p0 $0x1  }
0xb4: {  	s26 =	simm.s32 $execute0_lowered;
	[smem:$0x3FD2] =	sst s25  }
0xb5: {  	s5 =	sshll.u32 s26, $0x1;
	_ =	strace $0x8000004C;
	[dreg:$0x1] =	wrdreg $0xFFFFFFFF  }
0xb6: {  	s28 =	simm.s32 $_size_execute0_lowered;
	s3 =	sadd.s32 s3, s5;
	[dreg:$0x0] =	wrdreg $0x0  }
0xb7: {  	s5 =	sshll.u32 s28, $0x1;
	[dreg:$0x2] =	wrdreg s3  }
0xb8: {  	[dreg:$0x3] =	wrdreg s5  }
0xb9: {  	[dreg:$0x4] =	wrdreg $0xC0  }
0xba: {  	_ =	task [dreg:s22], $0x5FFFF  }
0xbb: {  	[dreg:$0x1] =	wrdreg $0xFFFFFFFF  }
0xbc: {  	[dreg:$0x0] =	wrdreg $0x60  }
0xbd: {  	[dreg:$0x2] =	wrdreg s24  }
0xbe: {  	[dreg:$0x3] =	wrdreg $0x40800  }
0xbf: {  	[dreg:$0x4] =	wrdreg $0xA  }
0xc0: {  	_ =	task.clear_ibuf [dreg:s22], $0x5FFFF;
	_ =	strace $0x9000004C  }
0xc1: {  	s29 =	simm.s32 $0xA;
	_ =	strace $0x8000004E  }
0xc2: {  	_ =	swait.ge [sflag:s29], $0x1  }
0xc3: {  	[sflag:s29] =	ssyncadd.s32 $0xFFFFFFFF  }
0xc4: {  	_ =	strace $0x9000004E  }
0xc5: {  	_ =	sfence  }
0xc6: {  	s30 =	sld [smem:$0x0];
	_ =	sdelay $0x2  }
0xc7: {  	s31 =	sshll.u32 s1, $0xD;
	s1 =	sshrl.u32 s1, $0x2  }
0xc8: {  	s4 =	sand.u32 $0x4000, s31;
	s1 =	sadd.s32 s1, s30  }
0xc9: {  	s0 =	sor.u32 s4, s0;
	s1 =	sshll.u32 s1, $0x11  }
0xca: {  	s0 =	sor.u32 s1, s0  }
0xcb: {  	s0 =	sadd.s32 $0x8F2B, s0  }
0xcc: {  	[sflag:s0] =	ssyncadd.remote.s32 $0x1  }
0xcd: {  	_ =	sfence.sel $0xFFFF  }
0xce: {  	[dreg:$0x0] =	wrdreg $0xFFFFFFFF;
	(pc) =	sbr.abs _section_cstart, $3  }
0xcf: {  	[dreg:$0x1] =	wrdreg $0xFFFFFFFF  }
0xd0: {  	_ =	task.clear_ibuf [dreg:s22], $0x2FFFF;
	_ =	strace $0x9FFFFFFF  }
0xd1: {  	(tm) =	ssettm $0x7FFFFFFF  }
tec
execute0_lowered:
.L_overlay_start_1:
0x0: {  	(tag) =	ssettag $0x1  }
0x1: {  	s4 =	rddreg [dreg:$0x0]  }
0x2: {  	s2 =	rddreg [dreg:$0x1]  }
0x3: {  	s0 =	rddreg [dreg:$0x2];
	s5 =	srdreg.scid  }
0x4: {  	s1 =	stileid.u32;
	s3 =	simm.s32 $0x0;
	s11 =	sand.u32 $0x1, s5  }
0x5: {  	s26 =	smul.u32 $0x2800, s1;
	[smem:$0x7FF] =	sst s3;
	s7 =	sshll.u32 s1, $0xC  }
0x6: {  	s8 =	sshll.u32 s1, $0x5;
	s9 =	smul.u32 $0x50000, s1;
	s31 =	sshll.u32 s1, $0x6  }
0x7: {  	s6 =	smul.u32 $0x28000, s11;
	_ =	strace $0x8000004D;
	s12 =	sadd.s32 s7, s4  }
0x8: {  	s13 =	sadd.s32 s8, s4;
	s28 =	ssub.s32 $0x2, s11;
	s15 =	sshll.u32 s11, $0xB  }
0x9: {  	s16 =	sshll.u32 s11, $0x4;
	s29 =	sshrl.u32 s9, $0x2;
	s30 =	sshrl.u32 s28, $0x1  }
0xa: {  	s12 =	sadd.s32 s15, s12;
	s13 =	sadd.s32 s16, s13;
	s15 =	simm.s32 $0x1  }
0xb: {  	s16 =	sor.u32 $0x1C01, s31;
	s5 =	sadd.s32 s26, s6;
	s14 =	ssub.s32 s28, s30  }
0xc: {  	s12 =	sadd.s32 $0xF0BC00, s12;
	s13 =	sadd.s32 $0xBE00, s13;
	s10 =	sadd.s32 s5, s4  }
0xd: {  	s4 =	sadd.s32 s29, s2;
	s5 =	sshll.u32 s1, $0x1;
	s11 =	smax.u32 s14, $0x1  }
0xe: {  	s14 =	simm.s32 $0x80;
	s6 =	sadd.s32 $0x4000, s4;
	s7 =	sadd.s32 $0x8000, s4  }
0xf: {  	v0 =	vimm.f32 $0.0e+00;
	s8 =	sadd.s32 $0xC000, s4;
	s9 =	sadd.s32 $0x10000, s4;
	s10 =	sadd.s32 $0x15C00, s10  }
.LBB2_1:
0x10: {  	s17 =	simm.s32 $0x0;
	s18 =	simm.s32 $0x200  }
.LBB2_2:
0x11: {  	p0 =	sne.s32 s18, $0xFE00;
	[tilespmem:s17+$0xF0] =	vst v0  }
0x12: {  	[tilespmem:s17+$0x80] =	vst v0  }
0x13: {  	[tilespmem:s17+$0x90] =	vst v0  }
.Ltmp0:
0x14: {  	[tilespmem:s17+$0xA0] =	vst v0;
	(pc) =	sbr.rel @p0 .LBB2_2-.Ltmp0, $4  }
0x15: {  	[tilespmem:s17+$0xB0] =	vst v0  }
0x16: {  	[tilespmem:s17+$0xC0] =	vst v0  }
0x17: {  	[tilespmem:s17+$0xD0] =	vst v0  }
0x18: {  	[tilespmem:s17+$0xE0] =	vst v0;
	s17 =	sshra.s32 s18, $0x2;
	s18 =	sadd.s32 $0x200, s18  }
0x19: {  	[tilespmem:s17+$0xF0] =	vst v0  }
0x1a: {  	[tilespmem:s17+$0x80] =	vst v0  }
0x1b: {  	[tilespmem:s17+$0x90] =	vst v0  }
0x1c: {  	[tilespmem:s17+$0xA0] =	vst v0  }
0x1d: {  	[tilespmem:s17+$0xB0] =	vst v0  }
0x1e: {  	[tilespmem:s17+$0xC0] =	vst v0  }
0x1f: {  	[tilespmem:s17+$0xD0] =	vst v0  }
0x20: {  	[tilespmem:s17+$0xE0] =	vst v0  }
0x21: {  	[spmem:s4] =	stream.linear.scatter [tilespmem:s14], [sflag:$0x1], $0x4000, $0x38;
	[tilespmem:$0x18080] =	vst v63  }
0x22: {  	_ =	swait.ge [sflag:s15], $0x4000  }
0x23: {  	[sflag:s15] =	ssyncset.done $0x0  }
0x24: {  	[sflag:s15] =	ssyncadd.s32 $0xFFFFC000  }
0x25: {  	[spmem:s6] =	stream.linear.scatter [tilespmem:s14], [sflag:$0x1], $0x4000, $0x38;
	[tilespmem:$0x18080] =	vst v63  }
0x26: {  	_ =	swait.ge [sflag:s15], $0x4000  }
0x27: {  	[sflag:s15] =	ssyncset.done $0x0  }
0x28: {  	[sflag:s15] =	ssyncadd.s32 $0xFFFFC000  }
0x29: {  	[spmem:s7] =	stream.linear.scatter [tilespmem:s14], [sflag:$0x1], $0x4000, $0x38;
	[tilespmem:$0x18080] =	vst v63  }
0x2a: {  	_ =	swait.ge [sflag:s15], $0x4000  }
0x2b: {  	[sflag:s15] =	ssyncset.done $0x0  }
0x2c: {  	[sflag:s15] =	ssyncadd.s32 $0xFFFFC000  }
0x2d: {  	[spmem:s8] =	stream.linear.scatter [tilespmem:s14], [sflag:$0x1], $0x4000, $0x38;
	[tilespmem:$0x18080] =	vst v63  }
0x2e: {  	_ =	swait.ge [sflag:s15], $0x4000  }
0x2f: {  	[sflag:s15] =	ssyncset.done $0x0  }
0x30: {  	[sflag:s15] =	ssyncadd.s32 $0xFFFFC000  }
0x31: {  	[spmem:s9] =	stream.linear.scatter [tilespmem:s14], [sflag:$0x1], $0x4000, $0x38;
	[tilespmem:$0x18080] =	vst v63  }
0x32: {  	_ =	swait.ge [sflag:s15], $0x4000  }
0x33: {  	s30 =	sadd.s32 $0x0, s5;
	[sflag:s15] =	ssyncset.done $0x0  }
0x34: {  	p0 =	sgt.u32 s30, $0x9C3;
	[sflag:s15] =	ssyncadd.s32 $0xFFFFC000  }
0x35: {  	s17 =	simm.s32 @!p0 $0x0;
	s19 =	simm.s32 @!p0 $0x2;
	[bflag:$0x0] =	sbarrier.arrive $0xFFFF  }
0x36: {  	[tilespmem:s17], [sflag:$0x2] =	stream.linear.gather @!p0 [hbm4b:s13+s17], $0x80, $0x38;
	[tilespmem:$0x18080] =	vst v63  }
0x37: {  	_ =	swait.ge @!p0 [sflag:s19], $0x80  }
0x38: {  	[sflag:s19] =	ssyncset.done @!p0 $0x0;
	p0 =	por p0, p0  }
0x39: {  	[sflag:s19] =	ssyncadd.s32 @!p0 $0xFFFFFF80;
	s21 =	simm.s32 @!p0 $0x80  }
0x3a: {  	[tilespmem:s21], [sflag:$0x2] =	stream.linear.gather @!p0 [hbm4b:s12+s17], $0x4000, $0x38;
	[tilespmem:$0x18080] =	vst v63  }
0x3b: {  	_ =	swait.ge @!p0 [sflag:s19], $0x4000  }
0x3c: {  	[sflag:s19] =	ssyncset.done @!p0 $0x0  }
0x3d: {  	s31 =	sadd.s32 $0x20, s5;
	s20 =	simm.s32 @!p0 $0x1;
	[sflag:s19] =	ssyncadd.s32 @!p0 $0xFFFFC000  }
0x3e: {  	[spmem:s2] =	stream.indirect.scatter.add.f32 @!p0 [tilespmem:s21], [sflag:$0x1], $0x80, s17, s21, $0xb8;
	[tilespmem:$0x18080] =	vst v63  }
0x3f: {  	s18 =	simm.s32 $0x40;
	p1 =	sgt.u32 s31, $0x9C3;
	_ =	swait.ge @!p0 [sflag:s20], $0x4000  }
0x40: {  	s19 =	sadd.s32 $0x200, s13;
	s17 =	sadd.s32 $0x10000, s12;
	[sflag:s20] =	ssyncset.done @!p0 $0x0  }
.LBB2_4:
0x41: {  	s21 =	simm.s32 @!p1 $0x0;
	s22 =	simm.s32 @!p1 $0x2;
	[sflag:s20] =	ssyncadd.s32 @!p0 $0xFFFFC000  }
0x42: {  	[tilespmem:s21], [sflag:$0x2] =	stream.linear.gather @!p1 [hbm4b:s19+s21], $0x80, $0x38;
	[tilespmem:$0x18080] =	vst v63  }
0x43: {  	s23 =	smov.u32 s18;
	s18 =	sadd.s32 $0x20, s18;
	_ =	swait.ge @!p1 [sflag:s22], $0x80  }
0x44: {  	p0 =	por p1, p1;
	p2 =	sne.s32 s18, $0x9E0;
	[sflag:s22] =	ssyncset.done @!p1 $0x0  }
0x45: {  	s24 =	simm.s32 @!p0 $0x80;
	[sflag:s22] =	ssyncadd.s32 @!p0 $0xFFFFFF80  }
0x46: {  	[tilespmem:s24], [sflag:$0x2] =	stream.linear.gather @!p0 [hbm4b:s17+s21], $0x4000, $0x38;
	[tilespmem:$0x18080] =	vst v63  }
0x47: {  	_ =	swait.ge @!p0 [sflag:s22], $0x4000  }
.Ltmp1:
0x48: {  	[sflag:s22] =	ssyncset.done @!p0 $0x0;
	(pc) =	sbr.rel @p2 .LBB2_4-.Ltmp1, $4  }
0x49: {  	s20 =	simm.s32 @!p0 $0x1;
	[sflag:s22] =	ssyncadd.s32 @!p0 $0xFFFFC000  }
0x4a: {  	[spmem:s2] =	stream.indirect.scatter.add.f32 @!p0 [tilespmem:s24], [sflag:$0x1], $0x80, s21, s24, $0xb8;
	[tilespmem:$0x18080] =	vst v63  }
0x4b: {  	s19 =	sadd.s32 $0x200, s19;
	s21 =	sadd.s32 s23, s5;
	_ =	swait.ge @!p0 [sflag:s20], $0x4000  }
0x4c: {  	s17 =	sadd.s32 $0x10000, s17;
	p1 =	sgt.u32 s21, $0x9C3;
	[sflag:s20] =	ssyncset.done @!p0 $0x0  }
0x4d: {  	s18 =	simm.s32 @!p1 $0x0;
	s21 =	simm.s32 @!p1 $0x2;
	[sflag:s20] =	ssyncadd.s32 @!p0 $0xFFFFC000  }
0x4e: {  	[tilespmem:s18], [sflag:$0x2] =	stream.linear.gather @!p1 [hbm4b:s19+s18], $0x80, $0x38;
	[tilespmem:$0x18080] =	vst v63  }
0x4f: {  	_ =	swait.ge @!p1 [sflag:s21], $0x80  }
0x50: {  	p0 =	por p1, p1;
	[sflag:s21] =	ssyncset.done @!p1 $0x0  }
0x51: {  	s19 =	simm.s32 @!p0 $0x80;
	[sflag:s21] =	ssyncadd.s32 @!p0 $0xFFFFFF80  }
0x52: {  	[tilespmem:s19], [sflag:$0x2] =	stream.linear.gather @!p0 [hbm4b:s17+s18], $0x4000, $0x38;
	[tilespmem:$0x18080] =	vst v63  }
0x53: {  	_ =	swait.ge @!p0 [sflag:s21], $0x4000  }
0x54: {  	[sflag:s21] =	ssyncset.done @!p0 $0x0  }
0x55: {  	s17 =	simm.s32 @!p0 $0x1;
	[sflag:s21] =	ssyncadd.s32 @!p0 $0xFFFFC000  }
0x56: {  	[spmem:s2] =	stream.indirect.scatter.add.f32 @!p0 [tilespmem:s19], [sflag:$0x1], $0x80, s18, s19, $0xb8;
	[tilespmem:$0x18080] =	vst v63  }
0x57: {  	_ =	swait.ge @!p0 [sflag:s17], $0x4000  }
0x58: {  	s3 =	sadd.s32 $0x1, s3;
	[sflag:s17] =	ssyncset.done @!p0 $0x0  }
0x59: {  	[sflag:s17] =	ssyncadd.s32 @!p0 $0xFFFFC000;
	p0 =	sne.s32 s3, s11  }
.Ltmp2:
0x5a: {  	s31 =	sshrl.u32 s4, $0x3;
	[bflag:$0x0] =	sbarrier.arrive $0xFFFF;
	(pc) =	sbr.rel @p0 .LBB2_1-.Ltmp2, $4  }
0x5b: {  	[hbm:s10], [sflag:s16] =	dma.local [spmem:s31], $0x2800  }
0x5c: {  	_ =	swait.ge [sflag:s15], $0x2800  }
0x5d: {  	[sflag:s15] =	ssyncset.done $0x0  }
0x5e: {  	[sflag:s15] =	ssyncadd.s32 $0xFFFFD800  }
0x5f: {  	_ =	sfence.sel $0x180000  }
0x60: {  	[bflag:$0x0] =	sbarrier.arrive $0xFFFF  }
0x61: {  	p0 =	sne.s32 s1, $0x0;
	_ =	strace $0x9000004D  }
0x62: {  	s0 =	sadd.s32 @!p0 $0x100000, s0;
	[bflag:$0x2] =	sbarrier.arrive $0xFFFF  }
0x63: {  	[sflag:s0] =	ssyncadd.tile.s32 @!p0 $0x1;
	_ =	shalt  }
.Lfunc_end2:
_tile_overlayer_lowered:
.L_overlay_start_2:
0x64: {  	(tag) =	ssettag $0x2  }
0x65: {  	s0 =	rddreg [dreg:$0x0];
	s2 =	stileid.u32  }
0x66: {  	s1 =	rddreg [dreg:$0x1];
	p0 =	sne.s32 s2, $0x0  }
0x67: {  	s3 =	rddreg [dreg:$0x2];
	[bflag:$0x3] =	sbarrier.arrive $0xFFFF;
	s2 =	simm.s32 @!p0 $0x1C01  }
0x68: {  	[timem:s3], [sflag:s2] =	dma.local @!p0 [hbm:s0], s1  }
0x69: {  	s0 =	simm.s32 @!p0 $0x1  }
0x6a: {  	_ =	swait.ge @!p0 [sflag:s0], s1  }
0x6b: {  	s1 =	ssub.s32 @!p0 $0x0, s1;
	[sflag:s0] =	ssyncset.done @!p0 $0x0  }
0x6c: {  	[sflag:s0] =	ssyncadd.s32 @!p0 s1  }
0x6d: {  	[bflag:$0x3] =	sbarrier.arrive $0xFFFF  }
0x6e: {  	_ =	shalt  }

// kernel: kernel.13.cloned.1.call-start
scs
__scs_entry_jumppad:
0x0: {  	(pc) =	sbr.rel $0x88, $3  }
0x1: {  	(tag) =	ssettag $0x0;
	lr =	simm.s32 $0x1  }
0x2: {  	[smem:$0x3F98] =	sst lr;
	_ =	strace $0xD0000000  }
0x3: {  	_ = 	snop  }
0x4: {  	_ = 	snop  }
0x5: {  	_ = 	snop  }
0x6: {  	_ = 	snop  }
0x7: {  	_ = 	snop  }
__scs_overlays_trampoline_lowered:
0x8: {  	[smem:$0x3FA7] =	sst s0  }
0x9: {  	[smem:$0x3FA8] =	sst s1  }
0xa: {  	[smem:$0x3FA9] =	sst s2  }
0xb: {  	[smem:$0x3FAA] =	sst s3  }
0xc: {  	[smem:$0x3FAB] =	sst s4  }
0xd: {  	[smem:$0x3FAC] =	sst s5  }
0xe: {  	[smem:$0x3FAD] =	sst s6  }
0xf: {  	[smem:$0x3FAE] =	sst s7  }
0x10: {  	[smem:$0x3FAF] =	sst s8  }
0x11: {  	[smem:$0x3FB0] =	sst s9;
	s0 =	simm.s32 @!p0 $0x0  }
0x12: {  	s1 =	sld [smem:$0x3F96];
	s0 =	simm.s32 @p0 $0x1  }
0x13: {  	[smem:$0x3FB1] =	sst s0;
	s0 =	simm.s32 @!p1 $0x0  }
0x14: {  	s2 =	sld [smem:$0x3F95];
	s0 =	simm.s32 @p1 $0x1  }
0x15: {  	[smem:$0x3FB2] =	sst s0;
	s0 =	simm.s32 @!p2 $0x0  }
0x16: {  	s3 =	sld [smem:$0x3FDB];
	s0 =	simm.s32 @p2 $0x1  }
0x17: {  	s4 =	simm.s32 $0x1BF5;
	[smem:$0x3FB4] =	sst s0  }
0x18: {  	s0 =	sld [smem:$0x3F97];
	_ =	swait.ge [sflag:s4], $0x0  }
0x19: {  	s7 =	sld [smem:$0x3F98]  }
0x1a: {  	s8 =	sadd.s32 $0xFFFFE003, lr  }
0x1b: {  	s9 =	sadd.s32 $0xFFFFFEF7, lr;
	s5 =	simm.s32 $0xFFFFFFFF;
	p2 =	slt.u32 s8, $0xFFFFF086  }
0x1c: {  	p1 =	slt.u32 s9, $0xF7A;
	s5 =	simm.s32 @!p2 $0x0  }
0x1d: {  	s5 =	simm.s32 @p1 $0x1;
	p0 =	seq.s32 s7, s2  }
0x1e: {  	s7 =	smul.u32 @!p0 $0xF7A, s2;
	p2 =	seq.s32 @!p0 s5, $0x0  }
0x1f: {  	s9 =	smul.u32 $0xF7A, s1;
	s8 =	simm.s32 @!p0 $0x1BF5;
	p2 =	por !p2, p0  }
0x20: {  	[sflag:s8] =	ssyncset.s32 @!p0 $0xFFFFF086;
	s6 =	sadd.s32 @!p0 s3, s7;
	s7 =	simm.s32 @!p0 $0x108  }
0x21: {  	s3 =	sadd.s32 s3, s9;
	s6 =	sadd.s32 @!p0 $0x88, s6;
	s7 =	simm.s32 @p2 $0x1082  }
0x22: {  	[simem:s7], [sflag:s8] =	dma.local @!p0 [hbm:s6], $0xF7A  }
0x23: {  	s9 =	sor.u32 $0xD0000000, s2;
	s6 =	simm.s32 $0x108;
	_ =	swait.ge @!p0 [sflag:s8], $0x0  }
0x24: {  	s3 =	sadd.s32 $0x88, s3;
	s6 =	simm.s32 @!p1 $0x1082;
	[sflag:s4] =	ssyncset.s32 $0xFFFFF086  }
0x25: {  	[simem:s6], [sflag:s4] =	dma.local [hbm:s3], $0xF7A  }
0x26: {  	[smem:$0x3F98] =	sst s1;
	(tag) =	ssettag s2;
	_ =	strace s9  }
0x27: {  	s1 =	sld [smem:$0x3FA8]  }
0x28: {  	s2 =	sld [smem:$0x3FA9]  }
0x29: {  	s4 =	sld [smem:$0x3FAB]  }
0x2a: {  	p0 =	seq.s32 s5, $0x0;
	s5 =	sld [smem:$0x3FAC]  }
0x2b: {  	s6 =	sld [smem:$0x3FAD]  }
0x2c: {  	s7 =	sld [smem:$0x3FAE]  }
0x2d: {  	s3 =	simm.s32 $0x108;
	s8 =	sld [smem:$0x3FAF]  }
0x2e: {  	s3 =	simm.s32 @!p0 $0x1082;
	s9 =	sld [smem:$0x3FB0]  }
0x2f: {  	lr =	sadd.s32 s0, s3;
	s0 =	sld [smem:$0x3FA7]  }
0x30: {  	s3 =	sld [smem:$0x3FAA]  }
0x31: {  	[smem:$0x3FB3] =	sst s10  }
0x32: {  	s10 =	sld [smem:$0x3FB1];
	_ =	sdelay $0x3  }
0x33: {  	p0 =	seq.s32 s10, $0x1;
	s10 =	sld [smem:$0x3FB3];
	_ =	sdelay $0x3  }
0x34: {  	[smem:$0x3FB3] =	sst s10  }
0x35: {  	s10 =	sld [smem:$0x3FB2];
	_ =	sdelay $0x3  }
0x36: {  	p1 =	seq.s32 s10, $0x1;
	s10 =	sld [smem:$0x3FB3];
	_ =	sdelay $0x3  }
0x37: {  	[smem:$0x3FB3] =	sst s10  }
0x38: {  	s10 =	sld [smem:$0x3FB4]  }
0x39: {  	_ = 	snop;
	(pc) =	sbr.ind lr, $3  }
0x3a: {  	_ = 	snop  }
0x3b: {  	_ = 	snop  }
0x3c: {  	p2 =	seq.s32 s10, $0x1;
	s10 =	sld [smem:$0x3FB3]  }
0x3d: {  	_ =	shalt  }
0x3e: {  	_ =	shalt  }
0x3f: {  	_ =	shalt  }
0x40: {  	_ =	shalt  }
0x41: {  	_ =	shalt  }
0x42: {  	_ =	shalt  }
0x43: {  	_ =	shalt  }
0x44: {  	_ =	shalt  }
0x45: {  	_ =	shalt  }
0x46: {  	_ =	shalt  }
0x47: {  	_ =	shalt  }
0x48: {  	_ =	shalt  }
0x49: {  	_ =	shalt  }
0x4a: {  	_ =	shalt  }
0x4b: {  	_ =	shalt  }
0x4c: {  	_ =	shalt  }
0x4d: {  	_ =	shalt  }
0x4e: {  	_ =	shalt  }
0x4f: {  	_ =	shalt  }
0x50: {  	_ =	shalt  }
0x51: {  	_ =	shalt  }
0x52: {  	_ =	shalt  }
0x53: {  	_ =	shalt  }
0x54: {  	_ =	shalt  }
0x55: {  	_ =	shalt  }
0x56: {  	_ =	shalt  }
0x57: {  	_ =	shalt  }
0x58: {  	_ =	shalt  }
0x59: {  	_ =	shalt  }
0x5a: {  	_ =	shalt  }
0x5b: {  	_ =	shalt  }
0x5c: {  	_ =	shalt  }
0x5d: {  	_ =	shalt  }
0x5e: {  	_ =	shalt  }
0x5f: {  	_ =	shalt  }
0x60: {  	_ =	shalt  }
0x61: {  	_ =	shalt  }
0x62: {  	_ =	shalt  }
0x63: {  	_ =	shalt  }
0x64: {  	_ =	shalt  }
0x65: {  	_ =	shalt  }
0x66: {  	_ =	shalt  }
0x67: {  	_ =	shalt  }
0x68: {  	_ =	shalt  }
0x69: {  	_ =	shalt  }
0x6a: {  	_ =	shalt  }
0x6b: {  	_ =	shalt  }
0x6c: {  	_ =	shalt  }
0x6d: {  	_ =	shalt  }
0x6e: {  	_ =	shalt  }
0x6f: {  	_ =	shalt  }
0x70: {  	_ =	shalt  }
0x71: {  	_ =	shalt  }
0x72: {  	_ =	shalt  }
0x73: {  	_ =	shalt  }
0x74: {  	_ =	shalt  }
0x75: {  	_ =	shalt  }
0x76: {  	_ =	shalt  }
0x77: {  	_ =	shalt  }
0x78: {  	_ =	shalt  }
0x79: {  	_ =	shalt  }
0x7a: {  	_ =	shalt  }
0x7b: {  	_ =	shalt  }
0x7c: {  	_ =	shalt  }
0x7d: {  	_ =	shalt  }
0x7e: {  	_ =	shalt  }
0x7f: {  	_ =	shalt  }
0x80: {  	_ =	shalt  }
0x81: {  	_ =	shalt  }
0x82: {  	_ =	shalt  }
0x83: {  	_ =	shalt  }
0x84: {  	_ =	shalt  }
0x85: {  	_ =	shalt  }
0x86: {  	_ =	shalt  }
0x87: {  	_ =	shalt  }
.Lfunc_end0:
.L_simem_size_0:
called_computation.2_lowered:
.L_overlay_start_0:
0x88: {  	s2 =	sld [smem:$0x3FD9]  }
0x89: {  	s3 =	sld [smem:$0x3FFE];
	_ =	sdelay $0x1  }
0x8a: {  	s1 =	srdreg.scid  }
0x8b: {  	s0 =	sand.u32 $0x1, s1  }
0x8c: {  	s17 =	sshll.u32 s0, $0xA;
	s2 =	sadd.s32 s3, s2  }
0x8d: {  	s2 =	sadd.s32 s2, s17  }
0x8e: {  	[smem:$0x3FBF] =	sst s2  }
0x8f: {  	_ = 	snop  }
0x90: {  	(tm) =	ssettm $0x1  }
0x91: {  	s18 =	sld [smem:$0x3FFB];
	_ =	sdelay $0x3  }
0x92: {  	_ =	strace s18  }
0x93: {  	s2 =	sld [smem:$0x3FFC];
	_ =	sdelay $0x3  }
0x94: {  	_ =	strace s2  }
0x95: {  	s2 =	sld [smem:$0x3FFD];
	_ =	sdelay $0x3  }
0x96: {  	_ =	strace s2  }
0x97: {  	_ =	strace $0x8FFFFFFF  }
0x98: {  	s19 =	sld [smem:$0x3FDB];
	_ =	sdelay $0x1  }
0x99: {  	s20 =	simm.s32 $_scs_section_size  }
0x9a: {  	s4 =	simm.s32 $_size__tile_overlayer_lowered;
	s5 =	simm.s32 $_tile_overlayer_lowered  }
0x9b: {  	s6 =	simm.s32 $0x1BFF;
	s21 =	sshll.u32 s5, $0x1;
	s3 =	sadd.s32 s20, s19  }
0x9c: {  	s22 =	simm.s32 $0x0;
	s4 =	sshll.u32 s4, $0x1;
	s5 =	sadd.s32 s21, s3  }
0x9d: {  	[timem:s22], [sflag:s6] =	dma.local [hbm:s5], s4  }
0x9e: {  	_ =	swait.ge [sflag:s6], s4  }
0x9f: {  	s4 =	ssub.s32 $0x0, s4;
	[sflag:s6] =	ssyncset.done $0x0  }
0xa0: {  	[sflag:s6] =	ssyncadd.s32 s4;
	_ =	sdelay $0x1  }
0xa1: {  	s23 =	simm.s32 $0x1B8B  }
0xa2: {  	_ =	swait.ge [sflag:s23], $0x1  }
0xa3: {  	[sflag:s23] =	ssyncset.done $0x0  }
0xa4: {  	[sflag:s23] =	ssyncadd.s32 $0xFFFFFFFF  }
0xa5: {  	s4 =	sld [smem:$0x0]  }
0xa6: {  	s5 =	sand.u32 $0xFFFFFFFE, s1  }
0xa7: {  	p0 =	sne.s32 s1, s5  }
0xa8: {  	s5 =	sshll.u32 @p0 s5, $0xE  }
0xa9: {  	s5 =	sadd.s32 @p0 $0x11B8D, s5;
	s6 =	sshll.u32 @p0 s4, $0x11  }
0xaa: {  	s5 =	sor.u32 @p0 s6, s5  }
0xab: {  	[sflag:s5] =	ssyncadd.remote.s32 @p0 $0x1;
	_ =	sdelay $0x1  }
0xac: {  	s5 =	simm.s32 @p0 $0x1B8D  }
0xad: {  	_ =	swait.eq @p0 [sflag:s5], $0x1  }
0xae: {  	[sflag:s5] =	ssyncadd.s32 @p0 $0xFFFFFFFF  }
0xaf: {  	s6 =	sshll.u32 @!p0 s1, $0xE  }
0xb0: {  	s6 =	sor.u32 @!p0 $0x4000, s6;
	s5 =	simm.s32 @!p0 $0x1B8D  }
0xb1: {  	s4 =	sshll.u32 @!p0 s4, $0x11;
	s6 =	sadd.s32 @!p0 $0x11B8D, s6;
	_ =	swait.eq @!p0 [sflag:s5], $0x1  }
0xb2: {  	s4 =	sor.u32 @!p0 s4, s6;
	[sflag:s5] =	ssyncadd.s32 @!p0 $0xFFFFFFFF  }
0xb3: {  	s25 =	simm.s32 $0x1B8E;
	s24 =	sld [smem:$0x3FFE];
	[sflag:s4] =	ssyncadd.remote.s32 @!p0 $0x1  }
0xb4: {  	s26 =	simm.s32 $execute0_lowered;
	[smem:$0x3FD2] =	sst s25  }
0xb5: {  	s5 =	sshll.u32 s26, $0x1;
	_ =	strace $0x80000049;
	[dreg:$0x1] =	wrdreg $0xFFFFFFFF  }
0xb6: {  	s28 =	simm.s32 $_size_execute0_lowered;
	s3 =	sadd.s32 s3, s5;
	[dreg:$0x0] =	wrdreg $0x0  }
0xb7: {  	s5 =	sshll.u32 s28, $0x1;
	[dreg:$0x2] =	wrdreg s3  }
0xb8: {  	[dreg:$0x3] =	wrdreg s5  }
0xb9: {  	[dreg:$0x4] =	wrdreg $0xC0  }
0xba: {  	_ =	task [dreg:s22], $0x5FFFF  }
0xbb: {  	[dreg:$0x1] =	wrdreg $0xFFFFFFFF  }
0xbc: {  	[dreg:$0x0] =	wrdreg $0x60  }
0xbd: {  	[dreg:$0x2] =	wrdreg s24  }
0xbe: {  	[dreg:$0x3] =	wrdreg $0x80800  }
0xbf: {  	[dreg:$0x4] =	wrdreg $0x9  }
0xc0: {  	_ =	task.clear_ibuf [dreg:s22], $0x5FFFF;
	_ =	strace $0x90000049  }
0xc1: {  	s29 =	simm.s32 $0x9;
	_ =	strace $0x8000004B  }
0xc2: {  	_ =	swait.ge [sflag:s29], $0x1  }
0xc3: {  	[sflag:s29] =	ssyncadd.s32 $0xFFFFFFFF  }
0xc4: {  	_ =	strace $0x9000004B  }
0xc5: {  	_ =	sfence  }
0xc6: {  	s30 =	sld [smem:$0x0];
	_ =	sdelay $0x2  }
0xc7: {  	s31 =	sshll.u32 s1, $0xD;
	s1 =	sshrl.u32 s1, $0x2  }
0xc8: {  	s4 =	sand.u32 $0x4000, s31;
	s1 =	sadd.s32 s1, s30  }
0xc9: {  	s0 =	sor.u32 s4, s0;
	s1 =	sshll.u32 s1, $0x11  }
0xca: {  	s0 =	sor.u32 s1, s0  }
0xcb: {  	s0 =	sadd.s32 $0x8F2B, s0  }
0xcc: {  	[sflag:s0] =	ssyncadd.remote.s32 $0x1  }
0xcd: {  	_ =	sfence.sel $0xFFFF  }
0xce: {  	[dreg:$0x0] =	wrdreg $0xFFFFFFFF;
	(pc) =	sbr.abs _section_cstart, $3  }
0xcf: {  	[dreg:$0x1] =	wrdreg $0xFFFFFFFF  }
0xd0: {  	_ =	task.clear_ibuf [dreg:s22], $0x2FFFF;
	_ =	strace $0x9FFFFFFF  }
0xd1: {  	(tm) =	ssettm $0x7FFFFFFF  }
tec
execute0_lowered:
.L_overlay_start_1:
0x0: {  	(tag) =	ssettag $0x1  }
0x1: {  	s7 =	rddreg [dreg:$0x0]  }
0x2: {  	s2 =	rddreg [dreg:$0x1]  }
0x3: {  	s0 =	rddreg [dreg:$0x2]  }
0x4: {  	s4 =	srdreg.scid;
	s1 =	stileid.u32  }
0x5: {  	s3 =	simm.s32 $0x0;
	s15 =	simm.s32 $0x4080;
	s16 =	simm.s32 $0x1  }
0x6: {  	s17 =	simm.s32 $0x2;
	s18 =	simm.s32 $0x80;
	s21 =	simm.s32 $0x0  }
0x7: {  	s25 =	simm.s32 $0x0;
	s4 =	sand.u32 $0x1, s4;
	s8 =	smul.u32 $0x2800, s1  }
0x8: {  	[smem:$0x7FF] =	sst s3;
	s10 =	smul.u32 $0x50000, s1;
	s5 =	sadd.s32 $0xBE00, s7  }
0x9: {  	s6 =	sadd.s32 $0x9D9C00, s7;
	s19 =	sshll.u32 s1, $0x6;
	s9 =	smul.u32 $0x28000, s4  }
0xa: {  	_ =	strace $0x8000004A;
	s11 =	ssub.s32 $0x2, s4;
	s19 =	sor.u32 $0x1C01, s19  }
.Ltmp0:
0xb: {  	s31 =	sshrl.u32 s11, $0x1;
	s8 =	sadd.s32 s8, s9;
	(pc) =	sbr.rel .LBB2_1-.Ltmp0, $4  }
0xc: {  	s10 =	sshrl.u32 s10, $0x2;
	s14 =	ssub.s32 s11, s31;
	s13 =	sadd.s32 s8, s7  }
0xd: {  	s7 =	sadd.s32 s10, s2;
	s8 =	sshll.u32 s1, $0x1;
	s14 =	smax.u32 s14, $0x1  }
0xe: {  	s9 =	sadd.s32 $0x4000, s7;
	s10 =	sadd.s32 $0x8000, s7;
	s11 =	sadd.s32 $0xC000, s7  }
0xf: {  	v0 =	vimm.f32 $0.0e+00;
	s12 =	sadd.s32 $0x10000, s7;
	s13 =	sadd.s32 $0xEBBC00, s13;
	s20 =	sshrl.u32 s7, $0x3  }
.LBB2_9:
0x10: {  	s21 =	sadd.s32 $0x1, s21  }
0x11: {  	p0 =	sne.s32 s21, s14  }
.Ltmp1:
0x12: {  	[bflag:$0x0] =	sbarrier.arrive $0xFFFF;
	(pc) =	sbr.rel @!p0 .LBB2_10-.Ltmp1, $4  }
0x13: {  	[hbm:s13], [sflag:s19] =	dma.local [spmem:s20], $0x2800  }
0x14: {  	_ =	swait.ge [sflag:s16], $0x2800  }
0x15: {  	[sflag:s16] =	ssyncset.done $0x0  }
0x16: {  	[sflag:s16] =	ssyncadd.s32 $0xFFFFD800  }
.LBB2_1:
0x17: {  	s22 =	simm.s32 $0x0;
	s23 =	simm.s32 $0x200  }
.LBB2_2:
0x18: {  	p0 =	sne.s32 s23, $0xFE00;
	[tilespmem:s22+$0x40F0] =	vst v0  }
0x19: {  	[tilespmem:s22+$0x4080] =	vst v0  }
0x1a: {  	[tilespmem:s22+$0x4090] =	vst v0  }
.Ltmp2:
0x1b: {  	[tilespmem:s22+$0x40A0] =	vst v0;
	(pc) =	sbr.rel @p0 .LBB2_2-.Ltmp2, $4  }
0x1c: {  	[tilespmem:s22+$0x40B0] =	vst v0  }
0x1d: {  	[tilespmem:s22+$0x40C0] =	vst v0  }
0x1e: {  	[tilespmem:s22+$0x40D0] =	vst v0  }
0x1f: {  	[tilespmem:s22+$0x40E0] =	vst v0;
	s22 =	sshra.s32 s23, $0x2;
	s23 =	sadd.s32 $0x200, s23  }
0x20: {  	[tilespmem:s22+$0x40F0] =	vst v0  }
0x21: {  	[tilespmem:s22+$0x4080] =	vst v0  }
0x22: {  	[tilespmem:s22+$0x4090] =	vst v0  }
0x23: {  	[tilespmem:s22+$0x40A0] =	vst v0  }
0x24: {  	[tilespmem:s22+$0x40B0] =	vst v0  }
0x25: {  	[tilespmem:s22+$0x40C0] =	vst v0  }
0x26: {  	[tilespmem:s22+$0x40D0] =	vst v0  }
0x27: {  	[tilespmem:s22+$0x40E0] =	vst v0  }
0x28: {  	[spmem:s7] =	stream.linear.scatter [tilespmem:s15], [sflag:$0x1], $0x4000, $0x38;
	[tilespmem:$0x1C080] =	vst v63  }
0x29: {  	_ =	swait.ge [sflag:s16], $0x4000  }
0x2a: {  	[sflag:s16] =	ssyncset.done $0x0  }
0x2b: {  	[sflag:s16] =	ssyncadd.s32 $0xFFFFC000  }
0x2c: {  	[spmem:s9] =	stream.linear.scatter [tilespmem:s15], [sflag:$0x1], $0x4000, $0x38;
	[tilespmem:$0x1C080] =	vst v63  }
0x2d: {  	_ =	swait.ge [sflag:s16], $0x4000  }
0x2e: {  	[sflag:s16] =	ssyncset.done $0x0  }
0x2f: {  	[sflag:s16] =	ssyncadd.s32 $0xFFFFC000  }
0x30: {  	[spmem:s10] =	stream.linear.scatter [tilespmem:s15], [sflag:$0x1], $0x4000, $0x38;
	[tilespmem:$0x1C080] =	vst v63  }
0x31: {  	_ =	swait.ge [sflag:s16], $0x4000  }
0x32: {  	[sflag:s16] =	ssyncset.done $0x0  }
0x33: {  	[sflag:s16] =	ssyncadd.s32 $0xFFFFC000  }
0x34: {  	[spmem:s11] =	stream.linear.scatter [tilespmem:s15], [sflag:$0x1], $0x4000, $0x38;
	[tilespmem:$0x1C080] =	vst v63  }
0x35: {  	_ =	swait.ge [sflag:s16], $0x4000  }
0x36: {  	[sflag:s16] =	ssyncset.done $0x0  }
0x37: {  	[sflag:s16] =	ssyncadd.s32 $0xFFFFC000  }
0x38: {  	[spmem:s12] =	stream.linear.scatter [tilespmem:s15], [sflag:$0x1], $0x4000, $0x38;
	[tilespmem:$0x1C080] =	vst v63  }
.Ltmp3:
0x39: {  	_ =	swait.ge [sflag:s16], $0x4000;
	(pc) =	sbr.rel .LBB2_4-.Ltmp3, $4  }
0x3a: {  	[sflag:s16] =	ssyncset.done $0x0  }
0x3b: {  	[sflag:s16] =	ssyncadd.s32 $0xFFFFC000  }
0x3c: {  	[bflag:$0x0] =	sbarrier.arrive $0xFFFF  }
0x3d: {  	s22 =	simm.s32 $0x0  }
.LBB2_8:
0x3e: {  	s22 =	sadd.s32 $0x1, s22  }
0x3f: {  	p0 =	sne.s32 s22, $0x4F  }
.Ltmp4:
0x40: {  	_ = 	snop;
	(pc) =	sbr.rel @!p0 .LBB2_9-.Ltmp4, $1  }
0x41: {  	_ =	sdelay $0x3  }
.LBB2_4:
0x42: {  	s23 =	sshll.u32 s22, $0x5  }
0x43: {  	s23 =	sor.u32 s8, s23  }
0x44: {  	p0 =	sgt.u32 s23, $0x9C3  }
.Ltmp5:
0x45: {  	_ = 	snop;
	(pc) =	sbr.rel @p0 .LBB2_8-.Ltmp5, $1  }
0x46: {  	_ =	sdelay $0x3  }
0x47: {  	s23 =	sor.u32 s4, s23  }
0x48: {  	s24 =	sshll.u32 s23, $0x4  }
0x49: {  	s24 =	sadd.s32 s5, s24  }
0x4a: {  	[tilespmem:s25], [sflag:$0x2] =	stream.linear.gather [hbm4b:s24+s25], $0x80, $0x38;
	[tilespmem:$0x1C080] =	vst v63  }
0x4b: {  	_ =	swait.ge [sflag:s17], $0x80  }
0x4c: {  	s23 =	sshll.u32 s23, $0xB;
	[sflag:s17] =	ssyncset.done $0x0  }
0x4d: {  	s23 =	sadd.s32 s6, s23;
	[sflag:s17] =	ssyncadd.s32 $0xFFFFFF80  }
0x4e: {  	[tilespmem:s18], [sflag:$0x2] =	stream.linear.gather [hbm4b:s23+s25], $0x4000, $0x38;
	[tilespmem:$0x1C080] =	vst v63  }
0x4f: {  	_ =	swait.ge [sflag:s17], $0x4000  }
0x50: {  	[sflag:s17] =	ssyncset.done $0x0  }
0x51: {  	s23 =	simm.s32 $0x0;
	[sflag:s17] =	ssyncadd.s32 $0xFFFFC000  }
0x52: {  	s24 =	simm.s32 $0x200;
	v1 =	vld [tilespmem:s23+$0x80]  }
.LBB2_6:
0x53: {  	p0 =	sne.s32 s24, $0xFE00  }
.Ltmp6:
0x54: {  	_ = 	snop;
	(pc) =	sbr.rel @p0 .LBB2_6-.Ltmp6, $3  }
0x55: {  	_ =	sdelay $0x1  }
0x56: {  	[tilespmem:s23+$0x4080] =	vst v1;
	s23 =	sshra.s32 s24, $0x2;
	s24 =	sadd.s32 $0x200, s24  }
0x57: {  	v1 =	vld [tilespmem:s23+$0x80]  }
0x58: {  	_ =	sdelay $0x3  }
.Ltmp7:
0x59: {  	[tilespmem:s23+$0x4080] =	vst v1;
	(pc) =	sbr.rel .LBB2_8-.Ltmp7, $4  }
0x5a: {  	[spmem:s2] =	stream.indirect.scatter.add.f32 [tilespmem:s15], [sflag:$0x1], $0x80, s3, s18, $0xb8;
	[tilespmem:$0x1C080] =	vst v63  }
0x5b: {  	_ =	swait.ge [sflag:s16], $0x4000  }
0x5c: {  	[sflag:s16] =	ssyncset.done $0x0  }
0x5d: {  	[sflag:s16] =	ssyncadd.s32 $0xFFFFC000  }
.LBB2_10:
0x5e: {  	_ =	sfence.sel $0x180000  }
0x5f: {  	[bflag:$0x0] =	sbarrier.arrive $0xFFFF  }
0x60: {  	p0 =	sne.s32 s1, $0x0;
	_ =	strace $0x9000004A  }
0x61: {  	s0 =	sadd.s32 @!p0 $0x100000, s0;
	[bflag:$0x2] =	sbarrier.arrive $0xFFFF  }
0x62: {  	[sflag:s0] =	ssyncadd.tile.s32 @!p0 $0x1;
	_ =	shalt  }
.Lfunc_end2:
_tile_overlayer_lowered:
.L_overlay_start_2:
0x63: {  	(tag) =	ssettag $0x2  }
0x64: {  	s0 =	rddreg [dreg:$0x0];
	s2 =	stileid.u32  }
0x65: {  	s1 =	rddreg [dreg:$0x1];
	p0 =	sne.s32 s2, $0x0  }
0x66: {  	s3 =	rddreg [dreg:$0x2];
	[bflag:$0x3] =	sbarrier.arrive $0xFFFF;
	s2 =	simm.s32 @!p0 $0x1C01  }
0x67: {  	[timem:s3], [sflag:s2] =	dma.local @!p0 [hbm:s0], s1  }
0x68: {  	s0 =	simm.s32 @!p0 $0x1  }
0x69: {  	_ =	swait.ge @!p0 [sflag:s0], s1  }
0x6a: {  	s1 =	ssub.s32 @!p0 $0x0, s1;
	[sflag:s0] =	ssyncset.done @!p0 $0x0  }
0x6b: {  	[sflag:s0] =	ssyncadd.s32 @!p0 s1  }
0x6c: {  	[bflag:$0x3] =	sbarrier.arrive $0xFFFF  }
0x6d: {  	_ =	shalt  }

// kernel: kernel.7.cloned.1.call-start
scs
__scs_entry_jumppad:
0x0: {  	(pc) =	sbr.rel $0x88, $3  }
0x1: {  	(tag) =	ssettag $0x0;
	lr =	simm.s32 $0x1  }
0x2: {  	[smem:$0x3F98] =	sst lr;
	_ =	strace $0xD0000000  }
0x3: {  	_ = 	snop  }
0x4: {  	_ = 	snop  }
0x5: {  	_ = 	snop  }
0x6: {  	_ = 	snop  }
0x7: {  	_ = 	snop  }
__scs_overlays_trampoline_lowered:
0x8: {  	[smem:$0x3FA7] =	sst s0  }
0x9: {  	[smem:$0x3FA8] =	sst s1  }
0xa: {  	[smem:$0x3FA9] =	sst s2  }
0xb: {  	[smem:$0x3FAA] =	sst s3  }
0xc: {  	[smem:$0x3FAB] =	sst s4  }
0xd: {  	[smem:$0x3FAC] =	sst s5  }
0xe: {  	[smem:$0x3FAD] =	sst s6  }
0xf: {  	[smem:$0x3FAE] =	sst s7  }
0x10: {  	[smem:$0x3FAF] =	sst s8  }
0x11: {  	[smem:$0x3FB0] =	sst s9;
	s0 =	simm.s32 @!p0 $0x0  }
0x12: {  	s1 =	sld [smem:$0x3F96];
	s0 =	simm.s32 @p0 $0x1  }
0x13: {  	[smem:$0x3FB1] =	sst s0;
	s0 =	simm.s32 @!p1 $0x0  }
0x14: {  	s2 =	sld [smem:$0x3F95];
	s0 =	simm.s32 @p1 $0x1  }
0x15: {  	[smem:$0x3FB2] =	sst s0;
	s0 =	simm.s32 @!p2 $0x0  }
0x16: {  	s3 =	sld [smem:$0x3FDB];
	s0 =	simm.s32 @p2 $0x1  }
0x17: {  	s4 =	simm.s32 $0x1BF5;
	[smem:$0x3FB4] =	sst s0  }
0x18: {  	s0 =	sld [smem:$0x3F97];
	_ =	swait.ge [sflag:s4], $0x0  }
0x19: {  	s7 =	sld [smem:$0x3F98]  }
0x1a: {  	s8 =	sadd.s32 $0xFFFFE003, lr  }
0x1b: {  	s9 =	sadd.s32 $0xFFFFFEF7, lr;
	s5 =	simm.s32 $0xFFFFFFFF;
	p2 =	slt.u32 s8, $0xFFFFF086  }
0x1c: {  	p1 =	slt.u32 s9, $0xF7A;
	s5 =	simm.s32 @!p2 $0x0  }
0x1d: {  	s5 =	simm.s32 @p1 $0x1;
	p0 =	seq.s32 s7, s2  }
0x1e: {  	s7 =	smul.u32 @!p0 $0xF7A, s2;
	p2 =	seq.s32 @!p0 s5, $0x0  }
0x1f: {  	s9 =	smul.u32 $0xF7A, s1;
	s8 =	simm.s32 @!p0 $0x1BF5;
	p2 =	por !p2, p0  }
0x20: {  	[sflag:s8] =	ssyncset.s32 @!p0 $0xFFFFF086;
	s6 =	sadd.s32 @!p0 s3, s7;
	s7 =	simm.s32 @!p0 $0x108  }
0x21: {  	s3 =	sadd.s32 s3, s9;
	s6 =	sadd.s32 @!p0 $0x88, s6;
	s7 =	simm.s32 @p2 $0x1082  }
0x22: {  	[simem:s7], [sflag:s8] =	dma.local @!p0 [hbm:s6], $0xF7A  }
0x23: {  	s9 =	sor.u32 $0xD0000000, s2;
	s6 =	simm.s32 $0x108;
	_ =	swait.ge @!p0 [sflag:s8], $0x0  }
0x24: {  	s3 =	sadd.s32 $0x88, s3;
	s6 =	simm.s32 @!p1 $0x1082;
	[sflag:s4] =	ssyncset.s32 $0xFFFFF086  }
0x25: {  	[simem:s6], [sflag:s4] =	dma.local [hbm:s3], $0xF7A  }
0x26: {  	[smem:$0x3F98] =	sst s1;
	(tag) =	ssettag s2;
	_ =	strace s9  }
0x27: {  	s1 =	sld [smem:$0x3FA8]  }
0x28: {  	s2 =	sld [smem:$0x3FA9]  }
0x29: {  	s4 =	sld [smem:$0x3FAB]  }
0x2a: {  	p0 =	seq.s32 s5, $0x0;
	s5 =	sld [smem:$0x3FAC]  }
0x2b: {  	s6 =	sld [smem:$0x3FAD]  }
0x2c: {  	s7 =	sld [smem:$0x3FAE]  }
0x2d: {  	s3 =	simm.s32 $0x108;
	s8 =	sld [smem:$0x3FAF]  }
0x2e: {  	s3 =	simm.s32 @!p0 $0x1082;
	s9 =	sld [smem:$0x3FB0]  }
0x2f: {  	lr =	sadd.s32 s0, s3;
	s0 =	sld [smem:$0x3FA7]  }
0x30: {  	s3 =	sld [smem:$0x3FAA]  }
0x31: {  	[smem:$0x3FB3] =	sst s10  }
0x32: {  	s10 =	sld [smem:$0x3FB1];
	_ =	sdelay $0x3  }
0x33: {  	p0 =	seq.s32 s10, $0x1;
	s10 =	sld [smem:$0x3FB3];
	_ =	sdelay $0x3  }
0x34: {  	[smem:$0x3FB3] =	sst s10  }
0x35: {  	s10 =	sld [smem:$0x3FB2];
	_ =	sdelay $0x3  }
0x36: {  	p1 =	seq.s32 s10, $0x1;
	s10 =	sld [smem:$0x3FB3];
	_ =	sdelay $0x3  }
0x37: {  	[smem:$0x3FB3] =	sst s10  }
0x38: {  	s10 =	sld [smem:$0x3FB4]  }
0x39: {  	_ = 	snop;
	(pc) =	sbr.ind lr, $3  }
0x3a: {  	_ = 	snop  }
0x3b: {  	_ = 	snop  }
0x3c: {  	p2 =	seq.s32 s10, $0x1;
	s10 =	sld [smem:$0x3FB3]  }
0x3d: {  	_ =	shalt  }
0x3e: {  	_ =	shalt  }
0x3f: {  	_ =	shalt  }
0x40: {  	_ =	shalt  }
0x41: {  	_ =	shalt  }
0x42: {  	_ =	shalt  }
0x43: {  	_ =	shalt  }
0x44: {  	_ =	shalt  }
0x45: {  	_ =	shalt  }
0x46: {  	_ =	shalt  }
0x47: {  	_ =	shalt  }
0x48: {  	_ =	shalt  }
0x49: {  	_ =	shalt  }
0x4a: {  	_ =	shalt  }
0x4b: {  	_ =	shalt  }
0x4c: {  	_ =	shalt  }
0x4d: {  	_ =	shalt  }
0x4e: {  	_ =	shalt  }
0x4f: {  	_ =	shalt  }
0x50: {  	_ =	shalt  }
0x51: {  	_ =	shalt  }
0x52: {  	_ =	shalt  }
0x53: {  	_ =	shalt  }
0x54: {  	_ =	shalt  }
0x55: {  	_ =	shalt  }
0x56: {  	_ =	shalt  }
0x57: {  	_ =	shalt  }
0x58: {  	_ =	shalt  }
0x59: {  	_ =	shalt  }
0x5a: {  	_ =	shalt  }
0x5b: {  	_ =	shalt  }
0x5c: {  	_ =	shalt  }
0x5d: {  	_ =	shalt  }
0x5e: {  	_ =	shalt  }
0x5f: {  	_ =	shalt  }
0x60: {  	_ =	shalt  }
0x61: {  	_ =	shalt  }
0x62: {  	_ =	shalt  }
0x63: {  	_ =	shalt  }
0x64: {  	_ =	shalt  }
0x65: {  	_ =	shalt  }
0x66: {  	_ =	shalt  }
0x67: {  	_ =	shalt  }
0x68: {  	_ =	shalt  }
0x69: {  	_ =	shalt  }
0x6a: {  	_ =	shalt  }
0x6b: {  	_ =	shalt  }
0x6c: {  	_ =	shalt  }
0x6d: {  	_ =	shalt  }
0x6e: {  	_ =	shalt  }
0x6f: {  	_ =	shalt  }
0x70: {  	_ =	shalt  }
0x71: {  	_ =	shalt  }
0x72: {  	_ =	shalt  }
0x73: {  	_ =	shalt  }
0x74: {  	_ =	shalt  }
0x75: {  	_ =	shalt  }
0x76: {  	_ =	shalt  }
0x77: {  	_ =	shalt  }
0x78: {  	_ =	shalt  }
0x79: {  	_ =	shalt  }
0x7a: {  	_ =	shalt  }
0x7b: {  	_ =	shalt  }
0x7c: {  	_ =	shalt  }
0x7d: {  	_ =	shalt  }
0x7e: {  	_ =	shalt  }
0x7f: {  	_ =	shalt  }
0x80: {  	_ =	shalt  }
0x81: {  	_ =	shalt  }
0x82: {  	_ =	shalt  }
0x83: {  	_ =	shalt  }
0x84: {  	_ =	shalt  }
0x85: {  	_ =	shalt  }
0x86: {  	_ =	shalt  }
0x87: {  	_ =	shalt  }
.Lfunc_end0:
.L_simem_size_0:
called_computation_lowered:
.L_overlay_start_0:
0x88: {  	s2 =	sld [smem:$0x3FD9]  }
0x89: {  	s3 =	sld [smem:$0x3FFE];
	_ =	sdelay $0x1  }
0x8a: {  	s1 =	srdreg.scid  }
0x8b: {  	s0 =	sand.u32 $0x1, s1  }
0x8c: {  	s17 =	sshll.u32 s0, $0xA;
	s2 =	sadd.s32 s3, s2  }
0x8d: {  	s2 =	sadd.s32 s2, s17  }
0x8e: {  	[smem:$0x3FBF] =	sst s2  }
0x8f: {  	_ = 	snop  }
0x90: {  	s2 =	sld [smem:$0x3FC9];
	(tm) =	ssettm $0x1  }
0x91: {  	s18 =	sld [smem:$0x3FFB];
	_ =	sdelay $0x3  }
0x92: {  	_ =	strace s18  }
0x93: {  	s3 =	sld [smem:$0x3FFC];
	_ =	sdelay $0x3  }
0x94: {  	_ =	strace s3  }
0x95: {  	s3 =	sld [smem:$0x3FFD];
	_ =	sdelay $0x3  }
0x96: {  	_ =	strace s3  }
0x97: {  	_ =	strace $0x8FFFFFFF  }
0x98: {  	s19 =	sld [smem:$0x3FDB];
	_ =	sdelay $0x1  }
0x99: {  	s4 =	simm.s32 $_scs_section_size  }
0x9a: {  	s5 =	simm.s32 $_size__tile_overlayer_lowered;
	s6 =	simm.s32 $_tile_overlayer_lowered  }
0x9b: {  	s22 =	simm.s32 $0x1BFF;
	s21 =	sshll.u32 s6, $0x1;
	s3 =	sadd.s32 s4, s19  }
0x9c: {  	s7 =	simm.s32 $0x0;
	s20 =	sshll.u32 s5, $0x1;
	s5 =	sadd.s32 s21, s3  }
0x9d: {  	[timem:s7], [sflag:s22] =	dma.local [hbm:s5], s20  }
0x9e: {  	_ =	swait.ge [sflag:s22], s20  }
0x9f: {  	s4 =	ssub.s32 $0x0, s20;
	[sflag:s22] =	ssyncset.done $0x0  }
0xa0: {  	[sflag:s22] =	ssyncadd.s32 s4;
	_ =	sdelay $0x1  }
0xa1: {  	s23 =	simm.s32 $0x1B8B  }
0xa2: {  	_ =	swait.ge [sflag:s23], $0x1  }
0xa3: {  	[sflag:s23] =	ssyncset.done $0x0  }
0xa4: {  	s25 =	simm.s32 $0x1B8E;
	s24 =	sld [smem:$0x3FFE];
	[sflag:s23] =	ssyncadd.s32 $0xFFFFFFFF  }
0xa5: {  	s26 =	simm.s32 $execute0_lowered;
	[smem:$0x3FD2] =	sst s25  }
0xa6: {  	s5 =	sshll.u32 s26, $0x1;
	_ =	strace $0x80000046;
	[dreg:$0x1] =	wrdreg $0xFFFFFFFF  }
0xa7: {  	s28 =	simm.s32 $_size_execute0_lowered;
	s3 =	sadd.s32 s3, s5;
	[dreg:$0x0] =	wrdreg $0x0  }
0xa8: {  	s5 =	sshll.u32 s28, $0x1;
	[dreg:$0x2] =	wrdreg s3  }
0xa9: {  	[dreg:$0x3] =	wrdreg s5  }
0xaa: {  	[dreg:$0x4] =	wrdreg $0xC0  }
0xab: {  	_ =	task [dreg:s7], $0x5FFFF  }
0xac: {  	[dreg:$0x1] =	wrdreg $0xFFFFFFFF  }
0xad: {  	[dreg:$0x0] =	wrdreg $0x60  }
0xae: {  	[dreg:$0x2] =	wrdreg s2  }
0xaf: {  	[dreg:$0x3] =	wrdreg s24  }
0xb0: {  	[dreg:$0x4] =	wrdreg $0xA  }
0xb1: {  	_ =	task.clear_ibuf [dreg:s7], $0x5FFFF;
	_ =	strace $0x90000046  }
0xb2: {  	s29 =	simm.s32 $0xA;
	_ =	strace $0x80000048  }
0xb3: {  	_ =	swait.ge [sflag:s29], $0x1  }
0xb4: {  	[sflag:s29] =	ssyncadd.s32 $0xFFFFFFFF  }
0xb5: {  	_ =	strace $0x90000048  }
0xb6: {  	_ =	sfence  }
0xb7: {  	s30 =	sld [smem:$0x0];
	_ =	sdelay $0x2  }
0xb8: {  	s31 =	sshll.u32 s1, $0xD;
	s1 =	sshrl.u32 s1, $0x2  }
0xb9: {  	s3 =	sand.u32 $0x4000, s31;
	s1 =	sadd.s32 s1, s30  }
0xba: {  	s0 =	sor.u32 s3, s0;
	s1 =	sshll.u32 s1, $0x11  }
0xbb: {  	s0 =	sor.u32 s1, s0  }
0xbc: {  	s0 =	sadd.s32 $0x8F2B, s0  }
0xbd: {  	[sflag:s0] =	ssyncadd.remote.s32 $0x1  }
0xbe: {  	_ =	sfence.sel $0xFFFF  }
0xbf: {  	[dreg:$0x0] =	wrdreg $0xFFFFFFFF;
	(pc) =	sbr.abs _section_cstart, $3  }
0xc0: {  	[dreg:$0x1] =	wrdreg $0xFFFFFFFF  }
0xc1: {  	_ =	task.clear_ibuf [dreg:s7], $0x2FFFF;
	_ =	strace $0x9FFFFFFF  }
0xc2: {  	(tm) =	ssettm $0x7FFFFFFF  }
0xc3: {  	_ =	shalt  }
tec
execute0_lowered:
.L_overlay_start_1:
0x0: {  	(tag) =	ssettag $0x1  }
0x1: {  	s1 =	rddreg [dreg:$0x0]  }
0x2: {  	s4 =	rddreg [dreg:$0x1]  }
0x3: {  	s0 =	rddreg [dreg:$0x2];
	s3 =	simm.s32 $0x0;
	s5 =	srdreg.scid  }
0x4: {  	s2 =	stileid.u32;
	[smem:$0x7FF] =	sst s3;
	s5 =	sand.u32 $0x1, s5  }
0x5: {  	s6 =	sshll.u32 s2, $0x5;
	s8 =	sshll.u32 s2, $0xC;
	_ =	strace $0x80000047  }
0x6: {  	s7 =	ssub.s32 $0x2, s5;
	s6 =	sadd.s32 s6, s4;
	s8 =	sadd.s32 s8, s4  }
0x7: {  	s31 =	sshll.u32 s5, $0x4;
	s10 =	sshll.u32 s5, $0xB;
	s9 =	sshrl.u32 s7, $0x1  }
0x8: {  	s4 =	sshll.u32 s2, $0x1;
	s10 =	sadd.s32 s10, s8;
	s7 =	ssub.s32 s7, s9  }
0x9: {  	s9 =	sadd.s32 s31, s6;
	s8 =	sadd.s32 $0x4F7C00, s10;
	s5 =	smax.u32 s7, $0x1  }
0xa: {  	s6 =	sadd.s32 $0x2000, s9;
	s7 =	sadd.s32 $0xBE00, s9;
	s9 =	sadd.s32 $0x15C00, s10  }
.LBB2_1:
0xb: {  	p0 =	sgt.u32 s4, $0x9C3  }
0xc: {  	s10 =	sadd.s32 @!p0 $0x0, s7  }
0xd: {  	s11 =	simm.s32 @!p0 $0x0;
	s12 =	simm.s32 @!p0 $0x80;
	s13 =	simm.s32 @!p0 $0x3  }
0xe: {  	[tilespmem:s12], [sflag:$0x3] =	stream.linear.gather @!p0 [hbm4b:s10+s11], $0x80, $0x38;
	[tilespmem:$0x8100] =	vst v63  }
0xf: {  	_ =	swait.ge @!p0 [sflag:s13], $0x80  }
0x10: {  	[sflag:s13] =	ssyncset.done @!p0 $0x0  }
0x11: {  	s10 =	sadd.s32 @!p0 $0x0, s6;
	[sflag:s13] =	ssyncadd.s32 @!p0 $0xFFFFFF80;
	p0 =	por p0, p0  }
0x12: {  	[tilespmem:s11], [sflag:$0x3] =	stream.linear.gather @!p0 [hbm4b:s10+s11], $0x80, $0x38;
	[tilespmem:$0x8100] =	vst v63  }
0x13: {  	_ =	swait.ge @!p0 [sflag:s13], $0x80  }
0x14: {  	[sflag:s13] =	ssyncset.done @!p0 $0x0  }
0x15: {  	s10 =	simm.s32 @!p0 $0x100;
	[sflag:s13] =	ssyncadd.s32 @!p0 $0xFFFFFF80  }
0x16: {  	[tilespmem:s10], [sflag:$0x1] =	stream.indirect.gather @!p0 [hbm4b:s1+s12], $0x80, s12, s12, $0xb8;
	[tilespmem:$0x8100] =	vst v63  }
0x17: {  	s14 =	simm.s32 @!p0 $0x4100;
	s15 =	simm.s32 @!p0 $0x1  }
0x18: {  	[tilespmem:s14], [sflag:$0x1] =	stream.indirect.gather @!p0 [hbm4b:s1+s12], $0x80, s11, s12, $0xb8;
	[tilespmem:$0x8100] =	vst v63  }
0x19: {  	_ =	swait.ge @!p0 [sflag:s15], $0x4000  }
0x1a: {  	[sflag:s15] =	ssyncset.done @!p0 $0x0  }
0x1b: {  	[sflag:s15] =	ssyncadd.s32 @!p0 $0xFFFFC000  }
0x1c: {  	[hbm4b:s9+s11] =	stream.linear.scatter @!p0 [tilespmem:s10], [sflag:$0x3], $0x4000, $0x38;
	[tilespmem:$0x8100] =	vst v63  }
0x1d: {  	_ =	swait.ge @!p0 [sflag:s13], $0x4000  }
0x1e: {  	[sflag:s13] =	ssyncset.done @!p0 $0x0  }
0x1f: {  	[sflag:s13] =	ssyncadd.s32 @!p0 $0xFFFFC000  }
0x20: {  	_ =	swait.ge @!p0 [sflag:s15], $0x4000  }
0x21: {  	[sflag:s15] =	ssyncset.done @!p0 $0x0  }
0x22: {  	s12 =	simm.s32 $0x200;
	s10 =	sadd.s32 $0x10000, s8;
	[sflag:s15] =	ssyncadd.s32 @!p0 $0xFFFFC000  }
0x23: {  	[hbm4b:s8+s11] =	stream.linear.scatter @!p0 [tilespmem:s14], [sflag:$0x2], $0x4000, $0x38;
	[tilespmem:$0x8100] =	vst v63  }
0x24: {  	s13 =	simm.s32 $0x400;
	s15 =	simm.s32 @!p0 $0x2;
	s14 =	sadd.s32 $0x20, s4  }
0x25: {  	s11 =	sadd.s32 $0x10000, s9;
	p2 =	sgt.u32 s14, $0x9C3;
	_ =	swait.ge @!p0 [sflag:s15], $0x4000  }
.LBB2_2:
0x26: {  	s16 =	sadd.s32 @!p2 s12, s7;
	s17 =	simm.s32 @!p2 $0x0;
	[sflag:s15] =	ssyncset.done @!p0 $0x0  }
0x27: {  	s18 =	simm.s32 @!p2 $0x80;
	s19 =	simm.s32 @!p2 $0x3;
	[sflag:s15] =	ssyncadd.s32 @!p0 $0xFFFFC000  }
0x28: {  	[tilespmem:s18], [sflag:$0x3] =	stream.linear.gather @!p2 [hbm4b:s16+s17], $0x80, $0x38;
	[tilespmem:$0x8100] =	vst v63  }
0x29: {  	s15 =	smov.u32 s13;
	s13 =	sadd.s32 $0x200, s13;
	_ =	swait.ge @!p2 [sflag:s19], $0x80  }
0x2a: {  	p1 =	sne.s32 s13, $0x9E00;
	s16 =	sadd.s32 @!p2 s12, s6;
	[sflag:s19] =	ssyncset.done @!p2 $0x0  }
0x2b: {  	p0 =	por p2, p2;
	s12 =	smov.u32 s15;
	[sflag:s19] =	ssyncadd.s32 @!p2 $0xFFFFFF80  }
0x2c: {  	[tilespmem:s17], [sflag:$0x3] =	stream.linear.gather @!p0 [hbm4b:s16+s17], $0x80, $0x38;
	[tilespmem:$0x8100] =	vst v63  }
0x2d: {  	_ =	swait.ge @!p0 [sflag:s19], $0x80  }
0x2e: {  	s15 =	simm.s32 @!p0 $0x100;
	[sflag:s19] =	ssyncset.done @!p0 $0x0  }
0x2f: {  	s16 =	simm.s32 @!p0 $0x4100;
	[sflag:s19] =	ssyncadd.s32 @!p0 $0xFFFFFF80  }
0x30: {  	[tilespmem:s15], [sflag:$0x1] =	stream.indirect.gather @!p0 [hbm4b:s1+s18], $0x80, s18, s18, $0xb8;
	[tilespmem:$0x8100] =	vst v63  }
0x31: {  	s20 =	simm.s32 @!p0 $0x1  }
0x32: {  	[tilespmem:s16], [sflag:$0x1] =	stream.indirect.gather @!p0 [hbm4b:s1+s18], $0x80, s17, s18, $0xb8;
	[tilespmem:$0x8100] =	vst v63  }
0x33: {  	_ =	swait.ge @!p0 [sflag:s20], $0x4000  }
0x34: {  	[sflag:s20] =	ssyncset.done @!p0 $0x0  }
0x35: {  	[sflag:s20] =	ssyncadd.s32 @!p0 $0xFFFFC000  }
0x36: {  	[hbm4b:s11+s17] =	stream.linear.scatter @!p0 [tilespmem:s15], [sflag:$0x3], $0x4000, $0x38;
	[tilespmem:$0x8100] =	vst v63  }
0x37: {  	_ =	swait.ge @!p0 [sflag:s19], $0x4000  }
0x38: {  	[sflag:s19] =	ssyncset.done @!p0 $0x0  }
0x39: {  	[sflag:s19] =	ssyncadd.s32 @!p0 $0xFFFFC000  }
.Ltmp0:
0x3a: {  	_ =	swait.ge @!p0 [sflag:s20], $0x4000;
	(pc) =	sbr.rel @p1 .LBB2_2-.Ltmp0, $4  }
0x3b: {  	s11 =	sadd.s32 $0x10000, s11;
	[sflag:s20] =	ssyncset.done @!p0 $0x0  }
0x3c: {  	s14 =	sadd.s32 $0x20, s14;
	s15 =	simm.s32 @!p0 $0x2;
	[sflag:s20] =	ssyncadd.s32 @!p0 $0xFFFFC000  }
0x3d: {  	[hbm4b:s10+s17] =	stream.linear.scatter @!p0 [tilespmem:s16], [sflag:$0x2], $0x4000, $0x38;
	[tilespmem:$0x8100] =	vst v63  }
0x3e: {  	p2 =	sgt.u32 s14, $0x9C3;
	s10 =	sadd.s32 $0x10000, s10;
	_ =	swait.ge @!p0 [sflag:s15], $0x4000  }
0x3f: {  	s13 =	sadd.s32 @!p2 s12, s7;
	s14 =	simm.s32 @!p2 $0x0;
	[sflag:s15] =	ssyncset.done @!p0 $0x0  }
0x40: {  	s16 =	simm.s32 @!p2 $0x80;
	s17 =	simm.s32 @!p2 $0x3;
	[sflag:s15] =	ssyncadd.s32 @!p0 $0xFFFFC000  }
0x41: {  	[tilespmem:s16], [sflag:$0x3] =	stream.linear.gather @!p2 [hbm4b:s13+s14], $0x80, $0x38;
	[tilespmem:$0x8100] =	vst v63  }
0x42: {  	_ =	swait.ge @!p2 [sflag:s17], $0x80  }
0x43: {  	[sflag:s17] =	ssyncset.done @!p2 $0x0  }
0x44: {  	s12 =	sadd.s32 @!p2 s12, s6;
	p0 =	por p2, p2;
	[sflag:s17] =	ssyncadd.s32 @!p2 $0xFFFFFF80  }
0x45: {  	[tilespmem:s14], [sflag:$0x3] =	stream.linear.gather @!p0 [hbm4b:s12+s14], $0x80, $0x38;
	[tilespmem:$0x8100] =	vst v63  }
0x46: {  	_ =	swait.ge @!p0 [sflag:s17], $0x80  }
0x47: {  	[sflag:s17] =	ssyncset.done @!p0 $0x0  }
0x48: {  	s12 =	simm.s32 @!p0 $0x100;
	[sflag:s17] =	ssyncadd.s32 @!p0 $0xFFFFFF80  }
0x49: {  	[tilespmem:s12], [sflag:$0x1] =	stream.indirect.gather @!p0 [hbm4b:s1+s16], $0x80, s16, s16, $0xb8;
	[tilespmem:$0x8100] =	vst v63  }
0x4a: {  	s13 =	simm.s32 @!p0 $0x4100;
	s15 =	simm.s32 @!p0 $0x1  }
0x4b: {  	[tilespmem:s13], [sflag:$0x1] =	stream.indirect.gather @!p0 [hbm4b:s1+s16], $0x80, s14, s16, $0xb8;
	[tilespmem:$0x8100] =	vst v63  }
0x4c: {  	_ =	swait.ge @!p0 [sflag:s15], $0x4000  }
0x4d: {  	[sflag:s15] =	ssyncset.done @!p0 $0x0  }
0x4e: {  	[sflag:s15] =	ssyncadd.s32 @!p0 $0xFFFFC000  }
0x4f: {  	[hbm4b:s11+s14] =	stream.linear.scatter @!p0 [tilespmem:s12], [sflag:$0x3], $0x4000, $0x38;
	[tilespmem:$0x8100] =	vst v63  }
0x50: {  	_ =	swait.ge @!p0 [sflag:s17], $0x4000  }
0x51: {  	[sflag:s17] =	ssyncset.done @!p0 $0x0  }
0x52: {  	[sflag:s17] =	ssyncadd.s32 @!p0 $0xFFFFC000  }
0x53: {  	s3 =	sadd.s32 $0x1, s3;
	_ =	swait.ge @!p0 [sflag:s15], $0x4000  }
0x54: {  	p1 =	sne.s32 s3, s5;
	[sflag:s15] =	ssyncset.done @!p0 $0x0  }
.Ltmp1:
0x55: {  	s11 =	simm.s32 @!p0 $0x2;
	[sflag:s15] =	ssyncadd.s32 @!p0 $0xFFFFC000;
	(pc) =	sbr.rel @p1 .LBB2_1-.Ltmp1, $4  }
0x56: {  	[hbm4b:s10+s14] =	stream.linear.scatter @!p0 [tilespmem:s13], [sflag:$0x2], $0x4000, $0x38;
	[tilespmem:$0x8100] =	vst v63  }
0x57: {  	_ =	swait.ge @!p0 [sflag:s11], $0x4000  }
0x58: {  	[sflag:s11] =	ssyncset.done @!p0 $0x0  }
0x59: {  	[sflag:s11] =	ssyncadd.s32 @!p0 $0xFFFFC000  }
0x5a: {  	_ =	sfence.sel $0x180000  }
0x5b: {  	[bflag:$0x0] =	sbarrier.arrive $0xFFFF  }
0x5c: {  	p0 =	sne.s32 s2, $0x0;
	_ =	strace $0x90000047  }
0x5d: {  	s0 =	sadd.s32 @!p0 $0x100000, s0;
	[bflag:$0x2] =	sbarrier.arrive $0xFFFF  }
0x5e: {  	[sflag:s0] =	ssyncadd.tile.s32 @!p0 $0x1;
	_ =	shalt  }
.Lfunc_end2:
_tile_overlayer_lowered:
.L_overlay_start_2:
0x5f: {  	(tag) =	ssettag $0x2  }
0x60: {  	s0 =	rddreg [dreg:$0x0];
	s2 =	stileid.u32  }
0x61: {  	s1 =	rddreg [dreg:$0x1];
	p0 =	sne.s32 s2, $0x0  }
0x62: {  	s3 =	rddreg [dreg:$0x2];
	[bflag:$0x3] =	sbarrier.arrive $0xFFFF;
	s2 =	simm.s32 @!p0 $0x1C02  }
0x63: {  	[timem:s3], [sflag:s2] =	dma.local @!p0 [hbm:s0], s1  }
0x64: {  	s0 =	simm.s32 @!p0 $0x2  }
0x65: {  	_ =	swait.ge @!p0 [sflag:s0], s1  }
0x66: {  	s1 =	ssub.s32 @!p0 $0x0, s1;
	[sflag:s0] =	ssyncset.done @!p0 $0x0  }
0x67: {  	[sflag:s0] =	ssyncadd.s32 @!p0 s1  }
0x68: {  	[bflag:$0x3] =	sbarrier.arrive $0xFFFF  }
0x69: {  	_ =	shalt  }

</sc_bundles>
